<compile_context>
chip_gen: v7x
topology: tpu7x:2x2x1
jax: 0.10.2.dev20260603
libtpu: 0.0.44.dev20260713+nightly
codegen_flags: <defaults>
</compile_context>

<pallas_src>
import functools

import jax
import jax.numpy as jnp
from jax import lax
from jax.experimental import pallas as pl
from jax.experimental.pallas import tpu as pltpu
from jax.experimental.pallas import tpu_sc as plsc

N_NODES = 1000000
EMBED_DIM = 64
BATCH = 16384

NUM_CORES = 2
NUM_SUBCORES = 16
NUM_LANES = 16
NUM_TILES = NUM_CORES * NUM_SUBCORES
ROWS_PER_TILE = BATCH // NUM_TILES
CHUNK = 256
UNROLL = 8


def _sc_gather_mul(weight, rx, tx):
  mesh = plsc.VectorSubcoreMesh(core_axis_name="c", subcore_axis_name="s")

  @functools.partial(
      pl.kernel,
      mesh=mesh,
      out_type=jax.ShapeDtypeStruct((BATCH, EMBED_DIM), jnp.float32),
      scratch_types=[
          pltpu.VMEM((ROWS_PER_TILE,), jnp.int32),
          pltpu.VMEM((ROWS_PER_TILE,), jnp.int32),
          pltpu.VMEM((CHUNK, EMBED_DIM), jnp.float32),
          pltpu.VMEM((CHUNK, EMBED_DIM), jnp.float32),
          pltpu.SemaphoreType.DMA,
          pltpu.SemaphoreType.DMA,
      ],
  )
  def k(w_hbm, rx_hbm, tx_hbm, out_hbm, rxi_v, txi_v, a_v, b_v, sa, sb):
    wid = lax.axis_index("s") * NUM_CORES + lax.axis_index("c")
    base = wid * ROWS_PER_TILE
    pltpu.sync_copy(rx_hbm.at[pl.ds(base, ROWS_PER_TILE)], rxi_v)
    pltpu.sync_copy(tx_hbm.at[pl.ds(base, ROWS_PER_TILE)], txi_v)

    @pl.loop(0, ROWS_PER_TILE, step=CHUNK)
    def _(r0):
      @pl.loop(0, CHUNK, step=NUM_LANES)
      def _(i0):
        rv = rxi_v.at[pl.ds(r0 + i0, NUM_LANES)][...]
        tv = txi_v.at[pl.ds(r0 + i0, NUM_LANES)][...]
        for j in range(NUM_LANES):
          pltpu.async_copy(w_hbm.at[rv[j]], a_v.at[i0 + j], sa)
          pltpu.async_copy(w_hbm.at[tv[j]], b_v.at[i0 + j], sb)

      @pl.loop(0, CHUNK, step=UNROLL)
      def _(i0):
        for j in range(UNROLL):
          i = i0 + j
          pltpu.make_async_copy(w_hbm.at[0], a_v.at[i], sa).wait()
          pltpu.make_async_copy(w_hbm.at[0], b_v.at[i], sb).wait()

      @pl.loop(0, CHUNK)
      def _(i):
        for c in range(EMBED_DIM // NUM_LANES):
          slc = pl.ds(c * NUM_LANES, NUM_LANES)
          a_v.at[i, slc][...] = a_v.at[i, slc][...] * b_v.at[i, slc][...]

      pltpu.sync_copy(a_v, out_hbm.at[pl.ds(base + r0, CHUNK)])

  return k(weight, rx, tx)


def _tc_kernel(p_ref, b_ref, o_ref):
  o_ref[...] = jax.nn.sigmoid(jnp.sum(p_ref[...], axis=1) + b_ref[0])


def _tc_reduce_sigmoid(prod, bias):
  block = 2048
  return pl.pallas_call(
      _tc_kernel,
      grid=(BATCH // block,),
      in_specs=[
          pl.BlockSpec((block, EMBED_DIM), lambda i: (i, 0)),
          pl.BlockSpec((1,), lambda i: (0,)),
      ],
      out_specs=pl.BlockSpec((block,), lambda i: (i,)),
      out_shape=jax.ShapeDtypeStruct((BATCH,), jnp.float32),
  )(prod, bias)


def kernel(rx, tx, weight, bias):
  rx = rx.astype(jnp.int32)
  tx = tx.astype(jnp.int32)
  prod = _sc_gather_mul(weight, rx, tx)
  return _tc_reduce_sigmoid(prod, bias)

# --- scband reference (transcript-rebuilt; emitter-appended) ---
"""Pipeline reference for scband-shallow-43911745635194 (READ-ONLY COPY).

The authoritative reference and input builder live on the scoring server;
editing this copy changes nothing except your own understanding.
"""

import jax, jax.numpy as jnp
import numpy as np

N_NODES = 1000000
EMBED_DIM = 64
BATCH = 16384

def setup_inputs(seed: int = 0) -> dict:
    key = jax.random.key(seed)
    k1, k2, k3 = jax.random.split(key, 3)
    rx = jax.random.randint(k1, (BATCH,), 0, N_NODES, dtype=jnp.int64 if jax.config.jax_enable_x64 else jnp.int32)
    tx = jax.random.randint(k2, (BATCH,), 0, N_NODES, dtype=jnp.int64 if jax.config.jax_enable_x64 else jnp.int32)
    weight = jax.random.normal(k3, (N_NODES, EMBED_DIM), dtype=jnp.float32)
    bias = jnp.zeros((1,), dtype=jnp.float32)
    return {"rx": rx, "tx": tx, "weight": weight, "bias": bias}

def reference(rx, tx, weight, bias):
    # torch: sigmoid((embedding.weight[rx] * embedding.weight[tx]).sum(1) + bias)
    e_rx = jnp.take(weight, rx, axis=0)
    e_tx = jnp.take(weight, tx, axis=0)
    logits = jnp.sum(e_rx * e_tx, axis=1) + bias
    return jax.nn.sigmoid(logits)

if __name__ == "__main__":
    import jax
    _d = setup_inputs()
    print(jax.jit(kernel)(*tuple(_d.values())))

</pallas_src>

<mosaic_0001>
#map = affine_map<(d0, d1) -> (0, 0)>
#map1 = affine_map<(d0, d1) -> (0)>
module attributes {stable_mosaic.version = 14 : i64} {
  func.func @k(%arg0: i32, %arg1: i32, %arg2: memref<1000000x64xf32, #tpu.memory_space<hbm>>, %arg3: memref<16384xi32, #tpu.memory_space<hbm>>, %arg4: memref<16384xi32, #tpu.memory_space<hbm>>, %arg5: memref<16384x64xf32, #tpu.memory_space<hbm>>, %arg6: memref<512xi32, #tpu.memory_space<vmem>>, %arg7: memref<512xi32, #tpu.memory_space<vmem>>, %arg8: memref<256x64xf32, #tpu.memory_space<vmem>>, %arg9: memref<256x64xf32, #tpu.memory_space<vmem>>, %arg10: memref<!tpu.dma_semaphore, #tpu.memory_space<semaphore_mem>>, %arg11: memref<!tpu.dma_semaphore, #tpu.memory_space<semaphore_mem>>) attributes {dimension_semantics = [#tpu.dimension_semantics<core_parallel>, #tpu.dimension_semantics<subcore_parallel>], iteration_bounds = array<i64: 2, 16>, scalar_prefetch = 0 : i64, scratch_operands = 6 : i64, tpu.core_type = #tpu.core_type<sc_vector_subcore>, window_params = [{transform_indices = #map}, {transform_indices = #map1}, {transform_indices = #map1}, {transform_indices = #map}]} {
    %mul3A = arith.constant 2 : i32
    %mul3A_0 = arith.muli %arg1, %mul3A : i32
    %add3A = arith.addi %mul3A_0, %arg0 : i32
    %mul3A_1 = arith.constant 512 : i32
    %mul3A_2 = arith.muli %add3A, %mul3A_1 : i32
    "tpu.region"() ({
      %run_scoped3A = tpu.sem_alloc : memref<!tpu.dma_semaphore, #tpu.memory_space<semaphore_mem>>
      %dma_start3A = tpu.memref_slice %arg3[%mul3A_2] : memref<16384xi32, #tpu.memory_space<hbm>> -> memref<512xi32, #tpu.memory_space<hbm>>
      %dma_start3A_7 = tpu.memref_slice %arg3[%mul3A_2] : memref<16384xi32, #tpu.memory_space<hbm>> -> memref<512xi32, #tpu.memory_space<hbm>>
      tpu.enqueue_dma source(%dma_start3A_7 : memref<512xi32, #tpu.memory_space<hbm>>) target(%arg6 : memref<512xi32, #tpu.memory_space<vmem>>) target_semaphore(%run_scoped3A : memref<!tpu.dma_semaphore, #tpu.memory_space<semaphore_mem>>)
      %dma_wait3A = tpu.memref_slice %arg3[%mul3A_2] : memref<16384xi32, #tpu.memory_space<hbm>> -> memref<512xi32, #tpu.memory_space<hbm>>
      %dma_wait3A_8 = tpu.memref_slice %arg3[%mul3A_2] : memref<16384xi32, #tpu.memory_space<hbm>> -> memref<512xi32, #tpu.memory_space<hbm>>
      tpu.wait_dma2 semaphore(%run_scoped3A : memref<!tpu.dma_semaphore, #tpu.memory_space<semaphore_mem>>) src(%dma_wait3A_8 : memref<512xi32, #tpu.memory_space<hbm>>) dst(%arg6 : memref<512xi32, #tpu.memory_space<vmem>>)
      tpu.yield
    }) : () -> ()
    "tpu.region"() ({
      %run_scoped3A = tpu.sem_alloc : memref<!tpu.dma_semaphore, #tpu.memory_space<semaphore_mem>>
      %dma_start3A = tpu.memref_slice %arg4[%mul3A_2] : memref<16384xi32, #tpu.memory_space<hbm>> -> memref<512xi32, #tpu.memory_space<hbm>>
      %dma_start3A_7 = tpu.memref_slice %arg4[%mul3A_2] : memref<16384xi32, #tpu.memory_space<hbm>> -> memref<512xi32, #tpu.memory_space<hbm>>
      tpu.enqueue_dma source(%dma_start3A_7 : memref<512xi32, #tpu.memory_space<hbm>>) target(%arg7 : memref<512xi32, #tpu.memory_space<vmem>>) target_semaphore(%run_scoped3A : memref<!tpu.dma_semaphore, #tpu.memory_space<semaphore_mem>>)
      %dma_wait3A = tpu.memref_slice %arg4[%mul3A_2] : memref<16384xi32, #tpu.memory_space<hbm>> -> memref<512xi32, #tpu.memory_space<hbm>>
      %dma_wait3A_8 = tpu.memref_slice %arg4[%mul3A_2] : memref<16384xi32, #tpu.memory_space<hbm>> -> memref<512xi32, #tpu.memory_space<hbm>>
      tpu.wait_dma2 semaphore(%run_scoped3A : memref<!tpu.dma_semaphore, #tpu.memory_space<semaphore_mem>>) src(%dma_wait3A_8 : memref<512xi32, #tpu.memory_space<hbm>>) dst(%arg7 : memref<512xi32, #tpu.memory_space<vmem>>)
      tpu.yield
    }) : () -> ()
    %scan3A = arith.constant 0 : i32
    %scan3A_3 = arith.constant 2 : i32
    %scan3A_4 = arith.addi %scan3A, %scan3A_3 : i32
    %scan3A_5 = arith.constant 1 : i32
    scf.for %scan3A_7 = %scan3A to %scan3A_4 step %scan3A_5  : i32 {
      %mul3A_8 = arith.constant 256 : i32
      %mul3A_9 = arith.muli %scan3A_7, %mul3A_8 : i32
      %add3A_10 = arith.constant 0 : i32
      %add3A_11 = arith.addi %add3A_10, %mul3A_9 : i32
      %scan3A_12 = arith.constant 0 : i32
      %scan3A_13 = arith.constant 16 : i32
      %scan3A_14 = arith.addi %scan3A_12, %scan3A_13 : i32
      %scan3A_15 = arith.constant 1 : i32
      scf.for %scan3A_28 = %scan3A_12 to %scan3A_14 step %scan3A_15  : i32 {
        %mul3A_29 = arith.constant 16 : i32
        %mul3A_30 = arith.muli %scan3A_28, %mul3A_29 : i32
        %add3A_31 = arith.constant 0 : i32
        %add3A_32 = arith.addi %add3A_31, %mul3A_30 : i32
        %add3A_33 = arith.addi %add3A_11, %add3A_32 : i32
        %get3A = arith.index_cast %add3A_33 : i32 to index
        %get3A_34 = tpu.vector_load %arg6[%get3A] {strides = array<i32>} : memref<512xi32, #tpu.memory_space<vmem>>, vector<16xi32>,
        %get3A_35 = vector.shape_cast %get3A_34 : vector<16xi32> to vector<16xi32>
        %add3A_36 = arith.addi %add3A_11, %add3A_32 : i32
        %get3A_37 = arith.index_cast %add3A_36 : i32 to index
        %get3A_38 = tpu.vector_load %arg7[%get3A_37] {strides = array<i32>} : memref<512xi32, #tpu.memory_space<vmem>>, vector<16xi32>,
        %get3A_39 = vector.shape_cast %get3A_38 : vector<16xi32> to vector<16xi32>
        %slice3A = vector.extract_strided_slice %get3A_35 {offsets = [0], sizes = [1], strides = [1]} : vector<16xi32> to vector<1xi32>
        %squeeze3A = vector.extract %slice3A[0] : i32 from vector<1xi32>
        %add3A_40 = arith.constant 0 : i32
        %add3A_41 = arith.addi %add3A_32, %add3A_40 : i32
        %dma_start3A = arith.constant 0 : i32
        %dma_start3A_42 = tpu.memref_slice %arg8[%add3A_41, %dma_start3A] : memref<256x64xf32, #tpu.memory_space<vmem>> -> memref<1x64xf32, #tpu.memory_space<vmem>>
        %dma_start3A_43 = tpu.memref_squeeze %dma_start3A_42 : memref<1x64xf32, #tpu.memory_space<vmem>> -> memref<64xf32, #tpu.memory_space<vmem>>
        %dma_start3A_44 = arith.constant 0 : i32
        %dma_start3A_45 = tpu.memref_slice %arg2[%squeeze3A, %dma_start3A_44] : memref<1000000x64xf32, #tpu.memory_space<hbm>> -> memref<1x64xf32, #tpu.memory_space<hbm>>
        %dma_start3A_46 = tpu.memref_squeeze %dma_start3A_45 : memref<1x64xf32, #tpu.memory_space<hbm>> -> memref<64xf32, #tpu.memory_space<hbm>>
        %dma_start3A_47 = arith.constant 0 : i32
        %dma_start3A_48 = tpu.memref_slice %arg8[%add3A_41, %dma_start3A_47] : memref<256x64xf32, #tpu.memory_space<vmem>> -> memref<1x64xf32, #tpu.memory_space<vmem>>
        %dma_start3A_49 = tpu.memref_squeeze %dma_start3A_48 : memref<1x64xf32, #tpu.memory_space<vmem>> -> memref<64xf32, #tpu.memory_space<vmem>>
        %dma_start3A_50 = arith.constant 0 : i32
        %dma_start3A_51 = tpu.memref_slice %arg2[%squeeze3A, %dma_start3A_50] : memref<1000000x64xf32, #tpu.memory_space<hbm>> -> memref<1x64xf32, #tpu.memory_space<hbm>>
        %dma_start3A_52 = tpu.memref_squeeze %dma_start3A_51 : memref<1x64xf32, #tpu.memory_space<hbm>> -> memref<64xf32, #tpu.memory_space<hbm>>
        tpu.enqueue_dma source(%dma_start3A_52 : memref<64xf32, #tpu.memory_space<hbm>>) target(%dma_start3A_49 : memref<64xf32, #tpu.memory_space<vmem>>) target_semaphore(%arg10 : memref<!tpu.dma_semaphore, #tpu.memory_space<semaphore_mem>>)
        %slice3A_53 = vector.extract_strided_slice %get3A_39 {offsets = [0], sizes = [1], strides = [1]} : vector<16xi32> to vector<1xi32>
        %squeeze3A_54 = vector.extract %slice3A_53[0] : i32 from vector<1xi32>
        %add3A_55 = arith.constant 0 : i32
        %add3A_56 = arith.addi %add3A_32, %add3A_55 : i32
        %dma_start3A_57 = arith.constant 0 : i32
        %dma_start3A_58 = tpu.memref_slice %arg9[%add3A_56, %dma_start3A_57] : memref<256x64xf32, #tpu.memory_space<vmem>> -> memref<1x64xf32, #tpu.memory_space<vmem>>
        %dma_start3A_59 = tpu.memref_squeeze %dma_start3A_58 : memref<1x64xf32, #tpu.memory_space<vmem>> -> memref<64xf32, #tpu.memory_space<vmem>>
        %dma_start3A_60 = arith.constant 0 : i32
        %dma_start3A_61 = tpu.memref_slice %arg2[%squeeze3A_54, %dma_start3A_60] : memref<1000000x64xf32, #tpu.memory_space<hbm>> -> memref<1x64xf32, #tpu.memory_space<hbm>>
        %dma_start3A_62 = tpu.memref_squeeze %dma_start3A_61 : memref<1x64xf32, #tpu.memory_space<hbm>> -> memref<64xf32, #tpu.memory_space<hbm>>
        %dma_start3A_63 = arith.constant 0 : i32
        %dma_start3A_64 = tpu.memref_slice %arg9[%add3A_56, %dma_start3A_63] : memref<256x64xf32, #tpu.memory_space<vmem>> -> memref<1x64xf32, #tpu.memory_space<vmem>>
        %dma_start3A_65 = tpu.memref_squeeze %dma_start3A_64 : memref<1x64xf32, #tpu.memory_space<vmem>> -> memref<64xf32, #tpu.memory_space<vmem>>
        %dma_start3A_66 = arith.constant 0 : i32
        %dma_start3A_67 = tpu.memref_slice %arg2[%squeeze3A_54, %dma_start3A_66] : memref<1000000x64xf32, #tpu.memory_space<hbm>> -> memref<1x64xf32, #tpu.memory_space<hbm>>
        %dma_start3A_68 = tpu.memref_squeeze %dma_start3A_67 : memref<1x64xf32, #tpu.memory_space<hbm>> -> memref<64xf32, #tpu.memory_space<hbm>>
        tpu.enqueue_dma source(%dma_start3A_68 : memref<64xf32, #tpu.memory_space<hbm>>) target(%dma_start3A_65 : memref<64xf32, #tpu.memory_space<vmem>>) target_semaphore(%arg11 : memref<!tpu.dma_semaphore, #tpu.memory_space<semaphore_mem>>)
        %slice3A_69 = vector.extract_strided_slice %get3A_35 {offsets = [1], sizes = [1], strides = [1]} : vector<16xi32> to vector<1xi32>
        %squeeze3A_70 = vector.extract %slice3A_69[0] : i32 from vector<1xi32>
        %add3A_71 = arith.constant 1 : i32
        %add3A_72 = arith.addi %add3A_32, %add3A_71 : i32
        %dma_start3A_73 = arith.constant 0 : i32
        %dma_start3A_74 = tpu.memref_slice %arg8[%add3A_72, %dma_start3A_73] : memref<256x64xf32, #tpu.memory_space<vmem>> -> memref<1x64xf32, #tpu.memory_space<vmem>>
        %dma_start3A_75 = tpu.memref_squeeze %dma_start3A_74 : memref<1x64xf32, #tpu.memory_space<vmem>> -> memref<64xf32, #tpu.memory_space<vmem>>
        %dma_start3A_76 = arith.constant 0 : i32
        %dma_start3A_77 = tpu.memref_slice %arg2[%squeeze3A_70, %dma_start3A_76] : memref<1000000x64xf32, #tpu.memory_space<hbm>> -> memref<1x64xf32, #tpu.memory_space<hbm>>
        %dma_start3A_78 = tpu.memref_squeeze %dma_start3A_77 : memref<1x64xf32, #tpu.memory_space<hbm>> -> memref<64xf32, #tpu.memory_space<hbm>>
        %dma_start3A_79 = arith.constant 0 : i32
        %dma_start3A_80 = tpu.memref_slice %arg8[%add3A_72, %dma_start3A_79] : memref<256x64xf32, #tpu.memory_space<vmem>> -> memref<1x64xf32, #tpu.memory_space<vmem>>
        %dma_start3A_81 = tpu.memref_squeeze %dma_start3A_80 : memref<1x64xf32, #tpu.memory_space<vmem>> -> memref<64xf32, #tpu.memory_space<vmem>>
        %dma_start3A_82 = arith.constant 0 : i32
        %dma_start3A_83 = tpu.memref_slice %arg2[%squeeze3A_70, %dma_start3A_82] : memref<1000000x64xf32, #tpu.memory_space<hbm>> -> memref<1x64xf32, #tpu.memory_space<hbm>>
        %dma_start3A_84 = tpu.memref_squeeze %dma_start3A_83 : memref<1x64xf32, #tpu.memory_space<hbm>> -> memref<64xf32, #tpu.memory_space<hbm>>
        tpu.enqueue_dma source(%dma_start3A_84 : memref<64xf32, #tpu.memory_space<hbm>>) target(%dma_start3A_81 : memref<64xf32, #tpu.memory_space<vmem>>) target_semaphore(%arg10 : memref<!tpu.dma_semaphore, #tpu.memory_space<semaphore_mem>>)
        %slice3A_85 = vector.extract_strided_slice %get3A_39 {offsets = [1], sizes = [1], strides = [1]} : vector<16xi32> to vector<1xi32>
        %squeeze3A_86 = vector.extract %slice3A_85[0] : i32 from vector<1xi32>
        %add3A_87 = arith.constant 1 : i32
        %add3A_88 = arith.addi %add3A_32, %add3A_87 : i32
        %dma_start3A_89 = arith.constant 0 : i32
        %dma_start3A_90 = tpu.memref_slice %arg9[%add3A_88, %dma_start3A_89] : memref<256x64xf32, #tpu.memory_space<vmem>> -> memref<1x64xf32, #tpu.memory_space<vmem>>
        %dma_start3A_91 = tpu.memref_squeeze %dma_start3A_90 : memref<1x64xf32, #tpu.memory_space<vmem>> -> memref<64xf32, #tpu.memory_space<vmem>>
        %dma_start3A_92 = arith.constant 0 : i32
        %dma_start3A_93 = tpu.memref_slice %arg2[%squeeze3A_86, %dma_start3A_92] : memref<1000000x64xf32, #tpu.memory_space<hbm>> -> memref<1x64xf32, #tpu.memory_space<hbm>>
        %dma_start3A_94 = tpu.memref_squeeze %dma_start3A_93 : memref<1x64xf32, #tpu.memory_space<hbm>> -> memref<64xf32, #tpu.memory_space<hbm>>
        %dma_start3A_95 = arith.constant 0 : i32
        %dma_start3A_96 = tpu.memref_slice %arg9[%add3A_88, %dma_start3A_95] : memref<256x64xf32, #tpu.memory_space<vmem>> -> memref<1x64xf32, #tpu.memory_space<vmem>>
        %dma_start3A_97 = tpu.memref_squeeze %dma_start3A_96 : memref<1x64xf32, #tpu.memory_space<vmem>> -> memref<64xf32, #tpu.memory_space<vmem>>
        %dma_start3A_98 = arith.constant 0 : i32
        %dma_start3A_99 = tpu.memref_slice %arg2[%squeeze3A_86, %dma_start3A_98] : memref<1000000x64xf32, #tpu.memory_space<hbm>> -> memref<1x64xf32, #tpu.memory_space<hbm>>
        %dma_start3A_100 = tpu.memref_squeeze %dma_start3A_99 : memref<1x64xf32, #tpu.memory_space<hbm>> -> memref<64xf32, #tpu.memory_space<hbm>>
        tpu.enqueue_dma source(%dma_start3A_100 : memref<64xf32, #tpu.memory_space<hbm>>) target(%dma_start3A_97 : memref<64xf32, #tpu.memory_space<vmem>>) target_semaphore(%arg11 : memref<!tpu.dma_semaphore, #tpu.memory_space<semaphore_mem>>)
        %slice3A_101 = vector.extract_strided_slice %get3A_35 {offsets = [2], sizes = [1], strides = [1]} : vector<16xi32> to vector<1xi32>
        %squeeze3A_102 = vector.extract %slice3A_101[0] : i32 from vector<1xi32>
        %add3A_103 = arith.constant 2 : i32
        %add3A_104 = arith.addi %add3A_32, %add3A_103 : i32
        %dma_start3A_105 = arith.constant 0 : i32
        %dma_start3A_106 = tpu.memref_slice %arg8[%add3A_104, %dma_start3A_105] : memref<256x64xf32, #tpu.memory_space<vmem>> -> memref<1x64xf32, #tpu.memory_space<vmem>>
        %dma_start3A_107 = tpu.memref_squeeze %dma_start3A_106 : memref<1x64xf32, #tpu.memory_space<vmem>> -> memref<64xf32, #tpu.memory_space<vmem>>
        %dma_start3A_108 = arith.constant 0 : i32
        %dma_start3A_109 = tpu.memref_slice %arg2[%squeeze3A_102, %dma_start3A_108] : memref<1000000x64xf32, #tpu.memory_space<hbm>> -> memref<1x64xf32, #tpu.memory_space<hbm>>
        %dma_start3A_110 = tpu.memref_squeeze %dma_start3A_109 : memref<1x64xf32, #tpu.memory_space<hbm>> -> memref<64xf32, #tpu.memory_space<hbm>>
        %dma_start3A_111 = arith.constant 0 : i32
        %dma_start3A_112 = tpu.memref_slice %arg8[%add3A_104, %dma_start3A_111] : memref<256x64xf32, #tpu.memory_space<vmem>> -> memref<1x64xf32, #tpu.memory_space<vmem>>
        %dma_start3A_113 = tpu.memref_squeeze %dma_start3A_112 : memref<1x64xf32, #tpu.memory_space<vmem>> -> memref<64xf32, #tpu.memory_space<vmem>>
        %dma_start3A_114 = arith.constant 0 : i32
        %dma_start3A_115 = tpu.memref_slice %arg2[%squeeze3A_102, %dma_start3A_114] : memref<1000000x64xf32, #tpu.memory_space<hbm>> -> memref<1x64xf32, #tpu.memory_space<hbm>>
        %dma_start3A_116 = tpu.memref_squeeze %dma_start3A_115 : memref<1x64xf32, #tpu.memory_space<hbm>> -> memref<64xf32, #tpu.memory_space<hbm>>
        tpu.enqueue_dma source(%dma_start3A_116 : memref<64xf32, #tpu.memory_space<hbm>>) target(%dma_start3A_113 : memref<64xf32, #tpu.memory_space<vmem>>) target_semaphore(%arg10 : memref<!tpu.dma_semaphore, #tpu.memory_space<semaphore_mem>>)
        %slice3A_117 = vector.extract_strided_slice %get3A_39 {offsets = [2], sizes = [1], strides = [1]} : vector<16xi32> to vector<1xi32>
        %squeeze3A_118 = vector.extract %slice3A_117[0] : i32 from vector<1xi32>
        %add3A_119 = arith.constant 2 : i32
        %add3A_120 = arith.addi %add3A_32, %add3A_119 : i32
        %dma_start3A_121 = arith.constant 0 : i32
        %dma_start3A_122 = tpu.memref_slice %arg9[%add3A_120, %dma_start3A_121] : memref<256x64xf32, #tpu.memory_space<vmem>> -> memref<1x64xf32, #tpu.memory_space<vmem>>
        %dma_start3A_123 = tpu.memref_squeeze %dma_start3A_122 : memref<1x64xf32, #tpu.memory_space<vmem>> -> memref<64xf32, #tpu.memory_space<vmem>>
        %dma_start3A_124 = arith.constant 0 : i32
        %dma_start3A_125 = tpu.memref_slice %arg2[%squeeze3A_118, %dma_start3A_124] : memref<1000000x64xf32, #tpu.memory_space<hbm>> -> memref<1x64xf32, #tpu.memory_space<hbm>>
        %dma_start3A_126 = tpu.memref_squeeze %dma_start3A_125 : memref<1x64xf32, #tpu.memory_space<hbm>> -> memref<64xf32, #tpu.memory_space<hbm>>
        %dma_start3A_127 = arith.constant 0 : i32
        %dma_start3A_128 = tpu.memref_slice %arg9[%add3A_120, %dma_start3A_127] : memref<256x64xf32, #tpu.memory_space<vmem>> -> memref<1x64xf32, #tpu.memory_space<vmem>>
        %dma_start3A_129 = tpu.memref_squeeze %dma_start3A_128 : memref<1x64xf32, #tpu.memory_space<vmem>> -> memref<64xf32, #tpu.memory_space<vmem>>
        %dma_start3A_130 = arith.constant 0 : i32
        %dma_start3A_131 = tpu.memref_slice %arg2[%squeeze3A_118, %dma_start3A_130] : memref<1000000x64xf32, #tpu.memory_space<hbm>> -> memref<1x64xf32, #tpu.memory_space<hbm>>
        %dma_start3A_132 = tpu.memref_squeeze %dma_start3A_131 : memref<1x64xf32, #tpu.memory_space<hbm>> -> memref<64xf32, #tpu.memory_space<hbm>>
        tpu.enqueue_dma source(%dma_start3A_132 : memref<64xf32, #tpu.memory_space<hbm>>) target(%dma_start3A_129 : memref<64xf32, #tpu.memory_space<vmem>>) target_semaphore(%arg11 : memref<!tpu.dma_semaphore, #tpu.memory_space<semaphore_mem>>)
        %slice3A_133 = vector.extract_strided_slice %get3A_35 {offsets = [3], sizes = [1], strides = [1]} : vector<16xi32> to vector<1xi32>
        %squeeze3A_134 = vector.extract %slice3A_133[0] : i32 from vector<1xi32>
        %add3A_135 = arith.constant 3 : i32
        %add3A_136 = arith.addi %add3A_32, %add3A_135 : i32
        %dma_start3A_137 = arith.constant 0 : i32
        %dma_start3A_138 = tpu.memref_slice %arg8[%add3A_136, %dma_start3A_137] : memref<256x64xf32, #tpu.memory_space<vmem>> -> memref<1x64xf32, #tpu.memory_space<vmem>>
        %dma_start3A_139 = tpu.memref_squeeze %dma_start3A_138 : memref<1x64xf32, #tpu.memory_space<vmem>> -> memref<64xf32, #tpu.memory_space<vmem>>
        %dma_start3A_140 = arith.constant 0 : i32
        %dma_start3A_141 = tpu.memref_slice %arg2[%squeeze3A_134, %dma_start3A_140] : memref<1000000x64xf32, #tpu.memory_space<hbm>> -> memref<1x64xf32, #tpu.memory_space<hbm>>
        %dma_start3A_142 = tpu.memref_squeeze %dma_start3A_141 : memref<1x64xf32, #tpu.memory_space<hbm>> -> memref<64xf32, #tpu.memory_space<hbm>>
        %dma_start3A_143 = arith.constant 0 : i32
        %dma_start3A_144 = tpu.memref_slice %arg8[%add3A_136, %dma_start3A_143] : memref<256x64xf32, #tpu.memory_space<vmem>> -> memref<1x64xf32, #tpu.memory_space<vmem>>
        %dma_start3A_145 = tpu.memref_squeeze %dma_start3A_144 : memref<1x64xf32, #tpu.memory_space<vmem>> -> memref<64xf32, #tpu.memory_space<vmem>>
        %dma_start3A_146 = arith.constant 0 : i32
        %dma_start3A_147 = tpu.memref_slice %arg2[%squeeze3A_134, %dma_start3A_146] : memref<1000000x64xf32, #tpu.memory_space<hbm>> -> memref<1x64xf32, #tpu.memory_space<hbm>>
        %dma_start3A_148 = tpu.memref_squeeze %dma_start3A_147 : memref<1x64xf32, #tpu.memory_space<hbm>> -> memref<64xf32, #tpu.memory_space<hbm>>
        tpu.enqueue_dma source(%dma_start3A_148 : memref<64xf32, #tpu.memory_space<hbm>>) target(%dma_start3A_145 : memref<64xf32, #tpu.memory_space<vmem>>) target_semaphore(%arg10 : memref<!tpu.dma_semaphore, #tpu.memory_space<semaphore_mem>>)
        %slice3A_149 = vector.extract_strided_slice %get3A_39 {offsets = [3], sizes = [1], strides = [1]} : vector<16xi32> to vector<1xi32>
        %squeeze3A_150 = vector.extract %slice3A_149[0] : i32 from vector<1xi32>
        %add3A_151 = arith.constant 3 : i32
        %add3A_152 = arith.addi %add3A_32, %add3A_151 : i32
        %dma_start3A_153 = arith.constant 0 : i32
        %dma_start3A_154 = tpu.memref_slice %arg9[%add3A_152, %dma_start3A_153] : memref<256x64xf32, #tpu.memory_space<vmem>> -> memref<1x64xf32, #tpu.memory_space<vmem>>
        %dma_start3A_155 = tpu.memref_squeeze %dma_start3A_154 : memref<1x64xf32, #tpu.memory_space<vmem>> -> memref<64xf32, #tpu.memory_space<vmem>>
        %dma_start3A_156 = arith.constant 0 : i32
        %dma_start3A_157 = tpu.memref_slice %arg2[%squeeze3A_150, %dma_start3A_156] : memref<1000000x64xf32, #tpu.memory_space<hbm>> -> memref<1x64xf32, #tpu.memory_space<hbm>>
        %dma_start3A_158 = tpu.memref_squeeze %dma_start3A_157 : memref<1x64xf32, #tpu.memory_space<hbm>> -> memref<64xf32, #tpu.memory_space<hbm>>
        %dma_start3A_159 = arith.constant 0 : i32
        %dma_start3A_160 = tpu.memref_slice %arg9[%add3A_152, %dma_start3A_159] : memref<256x64xf32, #tpu.memory_space<vmem>> -> memref<1x64xf32, #tpu.memory_space<vmem>>
        %dma_start3A_161 = tpu.memref_squeeze %dma_start3A_160 : memref<1x64xf32, #tpu.memory_space<vmem>> -> memref<64xf32, #tpu.memory_space<vmem>>
        %dma_start3A_162 = arith.constant 0 : i32
        %dma_start3A_163 = tpu.memref_slice %arg2[%squeeze3A_150, %dma_start3A_162] : memref<1000000x64xf32, #tpu.memory_space<hbm>> -> memref<1x64xf32, #tpu.memory_space<hbm>>
        %dma_start3A_164 = tpu.memref_squeeze %dma_start3A_163 : memref<1x64xf32, #tpu.memory_space<hbm>> -> memref<64xf32, #tpu.memory_space<hbm>>
        tpu.enqueue_dma source(%dma_start3A_164 : memref<64xf32, #tpu.memory_space<hbm>>) target(%dma_start3A_161 : memref<64xf32, #tpu.memory_space<vmem>>) target_semaphore(%arg11 : memref<!tpu.dma_semaphore, #tpu.memory_space<semaphore_mem>>)
        %slice3A_165 = vector.extract_strided_slice %get3A_35 {offsets = [4], sizes = [1], strides = [1]} : vector<16xi32> to vector<1xi32>
        %squeeze3A_166 = vector.extract %slice3A_165[0] : i32 from vector<1xi32>
        %add3A_167 = arith.constant 4 : i32
        %add3A_168 = arith.addi %add3A_32, %add3A_167 : i32
        %dma_start3A_169 = arith.constant 0 : i32
        %dma_start3A_170 = tpu.memref_slice %arg8[%add3A_168, %dma_start3A_169] : memref<256x64xf32, #tpu.memory_space<vmem>> -> memref<1x64xf32, #tpu.memory_space<vmem>>
        %dma_start3A_171 = tpu.memref_squeeze %dma_start3A_170 : memref<1x64xf32, #tpu.memory_space<vmem>> -> memref<64xf32, #tpu.memory_space<vmem>>
        %dma_start3A_172 = arith.constant 0 : i32
        %dma_start3A_173 = tpu.memref_slice %arg2[%squeeze3A_166, %dma_start3A_172] : memref<1000000x64xf32, #tpu.memory_space<hbm>> -> memref<1x64xf32, #tpu.memory_space<hbm>>
        %dma_start3A_174 = tpu.memref_squeeze %dma_start3A_173 : memref<1x64xf32, #tpu.memory_space<hbm>> -> memref<64xf32, #tpu.memory_space<hbm>>
        %dma_start3A_175 = arith.constant 0 : i32
        %dma_start3A_176 = tpu.memref_slice %arg8[%add3A_168, %dma_start3A_175] : memref<256x64xf32, #tpu.memory_space<vmem>> -> memref<1x64xf32, #tpu.memory_space<vmem>>
        %dma_start3A_177 = tpu.memref_squeeze %dma_start3A_176 : memref<1x64xf32, #tpu.memory_space<vmem>> -> memref<64xf32, #tpu.memory_space<vmem>>
        %dma_start3A_178 = arith.constant 0 : i32
        %dma_start3A_179 = tpu.memref_slice %arg2[%squeeze3A_166, %dma_start3A_178] : memref<1000000x64xf32, #tpu.memory_space<hbm>> -> memref<1x64xf32, #tpu.memory_space<hbm>>
        %dma_start3A_180 = tpu.memref_squeeze %dma_start3A_179 : memref<1x64xf32, #tpu.memory_space<hbm>> -> memref<64xf32, #tpu.memory_space<hbm>>
        tpu.enqueue_dma source(%dma_start3A_180 : memref<64xf32, #tpu.memory_space<hbm>>) target(%dma_start3A_177 : memref<64xf32, #tpu.memory_space<vmem>>) target_semaphore(%arg10 : memref<!tpu.dma_semaphore, #tpu.memory_space<semaphore_mem>>)
        %slice3A_181 = vector.extract_strided_slice %get3A_39 {offsets = [4], sizes = [1], strides = [1]} : vector<16xi32> to vector<1xi32>
        %squeeze3A_182 = vector.extract %slice3A_181[0] : i32 from vector<1xi32>
        %add3A_183 = arith.constant 4 : i32
        %add3A_184 = arith.addi %add3A_32, %add3A_183 : i32
        %dma_start3A_185 = arith.constant 0 : i32
        %dma_start3A_186 = tpu.memref_slice %arg9[%add3A_184, %dma_start3A_185] : memref<256x64xf32, #tpu.memory_space<vmem>> -> memref<1x64xf32, #tpu.memory_space<vmem>>
        %dma_start3A_187 = tpu.memref_squeeze %dma_start3A_186 : memref<1x64xf32, #tpu.memory_space<vmem>> -> memref<64xf32, #tpu.memory_space<vmem>>
        %dma_start3A_188 = arith.constant 0 : i32
        %dma_start3A_189 = tpu.memref_slice %arg2[%squeeze3A_182, %dma_start3A_188] : memref<1000000x64xf32, #tpu.memory_space<hbm>> -> memref<1x64xf32, #tpu.memory_space<hbm>>
        %dma_start3A_190 = tpu.memref_squeeze %dma_start3A_189 : memref<1x64xf32, #tpu.memory_space<hbm>> -> memref<64xf32, #tpu.memory_space<hbm>>
        %dma_start3A_191 = arith.constant 0 : i32
        %dma_start3A_192 = tpu.memref_slice %arg9[%add3A_184, %dma_start3A_191] : memref<256x64xf32, #tpu.memory_space<vmem>> -> memref<1x64xf32, #tpu.memory_space<vmem>>
        %dma_start3A_193 = tpu.memref_squeeze %dma_start3A_192 : memref<1x64xf32, #tpu.memory_space<vmem>> -> memref<64xf32, #tpu.memory_space<vmem>>
        %dma_start3A_194 = arith.constant 0 : i32
        %dma_start3A_195 = tpu.memref_slice %arg2[%squeeze3A_182, %dma_start3A_194] : memref<1000000x64xf32, #tpu.memory_space<hbm>> -> memref<1x64xf32, #tpu.memory_space<hbm>>
        %dma_start3A_196 = tpu.memref_squeeze %dma_start3A_195 : memref<1x64xf32, #tpu.memory_space<hbm>> -> memref<64xf32, #tpu.memory_space<hbm>>
        tpu.enqueue_dma source(%dma_start3A_196 : memref<64xf32, #tpu.memory_space<hbm>>) target(%dma_start3A_193 : memref<64xf32, #tpu.memory_space<vmem>>) target_semaphore(%arg11 : memref<!tpu.dma_semaphore, #tpu.memory_space<semaphore_mem>>)
        %slice3A_197 = vector.extract_strided_slice %get3A_35 {offsets = [5], sizes = [1], strides = [1]} : vector<16xi32> to vector<1xi32>
        %squeeze3A_198 = vector.extract %slice3A_197[0] : i32 from vector<1xi32>
        %add3A_199 = arith.constant 5 : i32
        %add3A_200 = arith.addi %add3A_32, %add3A_199 : i32
        %dma_start3A_201 = arith.constant 0 : i32
        %dma_start3A_202 = tpu.memref_slice %arg8[%add3A_200, %dma_start3A_201] : memref<256x64xf32, #tpu.memory_space<vmem>> -> memref<1x64xf32, #tpu.memory_space<vmem>>
        %dma_start3A_203 = tpu.memref_squeeze %dma_start3A_202 : memref<1x64xf32, #tpu.memory_space<vmem>> -> memref<64xf32, #tpu.memory_space<vmem>>
        %dma_start3A_204 = arith.constant 0 : i32
        %dma_start3A_205 = tpu.memref_slice %arg2[%squeeze3A_198, %dma_start3A_204] : memref<1000000x64xf32, #tpu.memory_space<hbm>> -> memref<1x64xf32, #tpu.memory_space<hbm>>
        %dma_start3A_206 = tpu.memref_squeeze %dma_start3A_205 : memref<1x64xf32, #tpu.memory_space<hbm>> -> memref<64xf32, #tpu.memory_space<hbm>>
        %dma_start3A_207 = arith.constant 0 : i32
        %dma_start3A_208 = tpu.memref_slice %arg8[%add3A_200, %dma_start3A_207] : memref<256x64xf32, #tpu.memory_space<vmem>> -> memref<1x64xf32, #tpu.memory_space<vmem>>
        %dma_start3A_209 = tpu.memref_squeeze %dma_start3A_208 : memref<1x64xf32, #tpu.memory_space<vmem>> -> memref<64xf32, #tpu.memory_space<vmem>>
        %dma_start3A_210 = arith.constant 0 : i32
        %dma_start3A_211 = tpu.memref_slice %arg2[%squeeze3A_198, %dma_start3A_210] : memref<1000000x64xf32, #tpu.memory_space<hbm>> -> memref<1x64xf32, #tpu.memory_space<hbm>>
        %dma_start3A_212 = tpu.memref_squeeze %dma_start3A_211 : memref<1x64xf32, #tpu.memory_space<hbm>> -> memref<64xf32, #tpu.memory_space<hbm>>
        tpu.enqueue_dma source(%dma_start3A_212 : memref<64xf32, #tpu.memory_space<hbm>>) target(%dma_start3A_209 : memref<64xf32, #tpu.memory_space<vmem>>) target_semaphore(%arg10 : memref<!tpu.dma_semaphore, #tpu.memory_space<semaphore_mem>>)
        %slice3A_213 = vector.extract_strided_slice %get3A_39 {offsets = [5], sizes = [1], strides = [1]} : vector<16xi32> to vector<1xi32>
        %squeeze3A_214 = vector.extract %slice3A_213[0] : i32 from vector<1xi32>
        %add3A_215 = arith.constant 5 : i32
        %add3A_216 = arith.addi %add3A_32, %add3A_215 : i32
        %dma_start3A_217 = arith.constant 0 : i32
        %dma_start3A_218 = tpu.memref_slice %arg9[%add3A_216, %dma_start3A_217] : memref<256x64xf32, #tpu.memory_space<vmem>> -> memref<1x64xf32, #tpu.memory_space<vmem>>
        %dma_start3A_219 = tpu.memref_squeeze %dma_start3A_218 : memref<1x64xf32, #tpu.memory_space<vmem>> -> memref<64xf32, #tpu.memory_space<vmem>>
        %dma_start3A_220 = arith.constant 0 : i32
        %dma_start3A_221 = tpu.memref_slice %arg2[%squeeze3A_214, %dma_start3A_220] : memref<1000000x64xf32, #tpu.memory_space<hbm>> -> memref<1x64xf32, #tpu.memory_space<hbm>>
        %dma_start3A_222 = tpu.memref_squeeze %dma_start3A_221 : memref<1x64xf32, #tpu.memory_space<hbm>> -> memref<64xf32, #tpu.memory_space<hbm>>
        %dma_start3A_223 = arith.constant 0 : i32
        %dma_start3A_224 = tpu.memref_slice %arg9[%add3A_216, %dma_start3A_223] : memref<256x64xf32, #tpu.memory_space<vmem>> -> memref<1x64xf32, #tpu.memory_space<vmem>>
        %dma_start3A_225 = tpu.memref_squeeze %dma_start3A_224 : memref<1x64xf32, #tpu.memory_space<vmem>> -> memref<64xf32, #tpu.memory_space<vmem>>
        %dma_start3A_226 = arith.constant 0 : i32
        %dma_start3A_227 = tpu.memref_slice %arg2[%squeeze3A_214, %dma_start3A_226] : memref<1000000x64xf32, #tpu.memory_space<hbm>> -> memref<1x64xf32, #tpu.memory_space<hbm>>
        %dma_start3A_228 = tpu.memref_squeeze %dma_start3A_227 : memref<1x64xf32, #tpu.memory_space<hbm>> -> memref<64xf32, #tpu.memory_space<hbm>>
        tpu.enqueue_dma source(%dma_start3A_228 : memref<64xf32, #tpu.memory_space<hbm>>) target(%dma_start3A_225 : memref<64xf32, #tpu.memory_space<vmem>>) target_semaphore(%arg11 : memref<!tpu.dma_semaphore, #tpu.memory_space<semaphore_mem>>)
        %slice3A_229 = vector.extract_strided_slice %get3A_35 {offsets = [6], sizes = [1], strides = [1]} : vector<16xi32> to vector<1xi32>
        %squeeze3A_230 = vector.extract %slice3A_229[0] : i32 from vector<1xi32>
        %add3A_231 = arith.constant 6 : i32
        %add3A_232 = arith.addi %add3A_32, %add3A_231 : i32
        %dma_start3A_233 = arith.constant 0 : i32
        %dma_start3A_234 = tpu.memref_slice %arg8[%add3A_232, %dma_start3A_233] : memref<256x64xf32, #tpu.memory_space<vmem>> -> memref<1x64xf32, #tpu.memory_space<vmem>>
        %dma_start3A_235 = tpu.memref_squeeze %dma_start3A_234 : memref<1x64xf32, #tpu.memory_space<vmem>> -> memref<64xf32, #tpu.memory_space<vmem>>
        %dma_start3A_236 = arith.constant 0 : i32
        %dma_start3A_237 = tpu.memref_slice %arg2[%squeeze3A_230, %dma_start3A_236] : memref<1000000x64xf32, #tpu.memory_space<hbm>> -> memref<1x64xf32, #tpu.memory_space<hbm>>
        %dma_start3A_238 = tpu.memref_squeeze %dma_start3A_237 : memref<1x64xf32, #tpu.memory_space<hbm>> -> memref<64xf32, #tpu.memory_space<hbm>>
        %dma_start3A_239 = arith.constant 0 : i32
        %dma_start3A_240 = tpu.memref_slice %arg8[%add3A_232, %dma_start3A_239] : memref<256x64xf32, #tpu.memory_space<vmem>> -> memref<1x64xf32, #tpu.memory_space<vmem>>
        %dma_start3A_241 = tpu.memref_squeeze %dma_start3A_240 : memref<1x64xf32, #tpu.memory_space<vmem>> -> memref<64xf32, #tpu.memory_space<vmem>>
        %dma_start3A_242 = arith.constant 0 : i32
        %dma_start3A_243 = tpu.memref_slice %arg2[%squeeze3A_230, %dma_start3A_242] : memref<1000000x64xf32, #tpu.memory_space<hbm>> -> memref<1x64xf32, #tpu.memory_space<hbm>>
        %dma_start3A_244 = tpu.memref_squeeze %dma_start3A_243 : memref<1x64xf32, #tpu.memory_space<hbm>> -> memref<64xf32, #tpu.memory_space<hbm>>
        tpu.enqueue_dma source(%dma_start3A_244 : memref<64xf32, #tpu.memory_space<hbm>>) target(%dma_start3A_241 : memref<64xf32, #tpu.memory_space<vmem>>) target_semaphore(%arg10 : memref<!tpu.dma_semaphore, #tpu.memory_space<semaphore_mem>>)
        %slice3A_245 = vector.extract_strided_slice %get3A_39 {offsets = [6], sizes = [1], strides = [1]} : vector<16xi32> to vector<1xi32>
        %squeeze3A_246 = vector.extract %slice3A_245[0] : i32 from vector<1xi32>
        %add3A_247 = arith.constant 6 : i32
        %add3A_248 = arith.addi %add3A_32, %add3A_247 : i32
        %dma_start3A_249 = arith.constant 0 : i32
        %dma_start3A_250 = tpu.memref_slice %arg9[%add3A_248, %dma_start3A_249] : memref<256x64xf32, #tpu.memory_space<vmem>> -> memref<1x64xf32, #tpu.memory_space<vmem>>
        %dma_start3A_251 = tpu.memref_squeeze %dma_start3A_250 : memref<1x64xf32, #tpu.memory_space<vmem>> -> memref<64xf32, #tpu.memory_space<vmem>>
        %dma_start3A_252 = arith.constant 0 : i32
        %dma_start3A_253 = tpu.memref_slice %arg2[%squeeze3A_246, %dma_start3A_252] : memref<1000000x64xf32, #tpu.memory_space<hbm>> -> memref<1x64xf32, #tpu.memory_space<hbm>>
        %dma_start3A_254 = tpu.memref_squeeze %dma_start3A_253 : memref<1x64xf32, #tpu.memory_space<hbm>> -> memref<64xf32, #tpu.memory_space<hbm>>
        %dma_start3A_255 = arith.constant 0 : i32
        %dma_start3A_256 = tpu.memref_slice %arg9[%add3A_248, %dma_start3A_255] : memref<256x64xf32, #tpu.memory_space<vmem>> -> memref<1x64xf32, #tpu.memory_space<vmem>>
        %dma_start3A_257 = tpu.memref_squeeze %dma_start3A_256 : memref<1x64xf32, #tpu.memory_space<vmem>> -> memref<64xf32, #tpu.memory_space<vmem>>
        %dma_start3A_258 = arith.constant 0 : i32
        %dma_start3A_259 = tpu.memref_slice %arg2[%squeeze3A_246, %dma_start3A_258] : memref<1000000x64xf32, #tpu.memory_space<hbm>> -> memref<1x64xf32, #tpu.memory_space<hbm>>
        %dma_start3A_260 = tpu.memref_squeeze %dma_start3A_259 : memref<1x64xf32, #tpu.memory_space<hbm>> -> memref<64xf32, #tpu.memory_space<hbm>>
        tpu.enqueue_dma source(%dma_start3A_260 : memref<64xf32, #tpu.memory_space<hbm>>) target(%dma_start3A_257 : memref<64xf32, #tpu.memory_space<vmem>>) target_semaphore(%arg11 : memref<!tpu.dma_semaphore, #tpu.memory_space<semaphore_mem>>)
        %slice3A_261 = vector.extract_strided_slice %get3A_35 {offsets = [7], sizes = [1], strides = [1]} : vector<16xi32> to vector<1xi32>
        %squeeze3A_262 = vector.extract %slice3A_261[0] : i32 from vector<1xi32>
        %add3A_263 = arith.constant 7 : i32
        %add3A_264 = arith.addi %add3A_32, %add3A_263 : i32
        %dma_start3A_265 = arith.constant 0 : i32
        %dma_start3A_266 = tpu.memref_slice %arg8[%add3A_264, %dma_start3A_265] : memref<256x64xf32, #tpu.memory_space<vmem>> -> memref<1x64xf32, #tpu.memory_space<vmem>>
        %dma_start3A_267 = tpu.memref_squeeze %dma_start3A_266 : memref<1x64xf32, #tpu.memory_space<vmem>> -> memref<64xf32, #tpu.memory_space<vmem>>
        %dma_start3A_268 = arith.constant 0 : i32
        %dma_start3A_269 = tpu.memref_slice %arg2[%squeeze3A_262, %dma_start3A_268] : memref<1000000x64xf32, #tpu.memory_space<hbm>> -> memref<1x64xf32, #tpu.memory_space<hbm>>
        %dma_start3A_270 = tpu.memref_squeeze %dma_start3A_269 : memref<1x64xf32, #tpu.memory_space<hbm>> -> memref<64xf32, #tpu.memory_space<hbm>>
        %dma_start3A_271 = arith.constant 0 : i32
        %dma_start3A_272 = tpu.memref_slice %arg8[%add3A_264, %dma_start3A_271] : memref<256x64xf32, #tpu.memory_space<vmem>> -> memref<1x64xf32, #tpu.memory_space<vmem>>
        %dma_start3A_273 = tpu.memref_squeeze %dma_start3A_272 : memref<1x64xf32, #tpu.memory_space<vmem>> -> memref<64xf32, #tpu.memory_space<vmem>>
        %dma_start3A_274 = arith.constant 0 : i32
        %dma_start3A_275 = tpu.memref_slice %arg2[%squeeze3A_262, %dma_start3A_274] : memref<1000000x64xf32, #tpu.memory_space<hbm>> -> memref<1x64xf32, #tpu.memory_space<hbm>>
        %dma_start3A_276 = tpu.memref_squeeze %dma_start3A_275 : memref<1x64xf32, #tpu.memory_space<hbm>> -> memref<64xf32, #tpu.memory_space<hbm>>
        tpu.enqueue_dma source(%dma_start3A_276 : memref<64xf32, #tpu.memory_space<hbm>>) target(%dma_start3A_273 : memref<64xf32, #tpu.memory_space<vmem>>) target_semaphore(%arg10 : memref<!tpu.dma_semaphore, #tpu.memory_space<semaphore_mem>>)
        %slice3A_277 = vector.extract_strided_slice %get3A_39 {offsets = [7], sizes = [1], strides = [1]} : vector<16xi32> to vector<1xi32>
        %squeeze3A_278 = vector.extract %slice3A_277[0] : i32 from vector<1xi32>
        %add3A_279 = arith.constant 7 : i32
        %add3A_280 = arith.addi %add3A_32, %add3A_279 : i32
        %dma_start3A_281 = arith.constant 0 : i32
        %dma_start3A_282 = tpu.memref_slice %arg9[%add3A_280, %dma_start3A_281] : memref<256x64xf32, #tpu.memory_space<vmem>> -> memref<1x64xf32, #tpu.memory_space<vmem>>
        %dma_start3A_283 = tpu.memref_squeeze %dma_start3A_282 : memref<1x64xf32, #tpu.memory_space<vmem>> -> memref<64xf32, #tpu.memory_space<vmem>>
        %dma_start3A_284 = arith.constant 0 : i32
        %dma_start3A_285 = tpu.memref_slice %arg2[%squeeze3A_278, %dma_start3A_284] : memref<1000000x64xf32, #tpu.memory_space<hbm>> -> memref<1x64xf32, #tpu.memory_space<hbm>>
        %dma_start3A_286 = tpu.memref_squeeze %dma_start3A_285 : memref<1x64xf32, #tpu.memory_space<hbm>> -> memref<64xf32, #tpu.memory_space<hbm>>
        %dma_start3A_287 = arith.constant 0 : i32
        %dma_start3A_288 = tpu.memref_slice %arg9[%add3A_280, %dma_start3A_287] : memref<256x64xf32, #tpu.memory_space<vmem>> -> memref<1x64xf32, #tpu.memory_space<vmem>>
        %dma_start3A_289 = tpu.memref_squeeze %dma_start3A_288 : memref<1x64xf32, #tpu.memory_space<vmem>> -> memref<64xf32, #tpu.memory_space<vmem>>
        %dma_start3A_290 = arith.constant 0 : i32
        %dma_start3A_291 = tpu.memref_slice %arg2[%squeeze3A_278, %dma_start3A_290] : memref<1000000x64xf32, #tpu.memory_space<hbm>> -> memref<1x64xf32, #tpu.memory_space<hbm>>
        %dma_start3A_292 = tpu.memref_squeeze %dma_start3A_291 : memref<1x64xf32, #tpu.memory_space<hbm>> -> memref<64xf32, #tpu.memory_space<hbm>>
        tpu.enqueue_dma source(%dma_start3A_292 : memref<64xf32, #tpu.memory_space<hbm>>) target(%dma_start3A_289 : memref<64xf32, #tpu.memory_space<vmem>>) target_semaphore(%arg11 : memref<!tpu.dma_semaphore, #tpu.memory_space<semaphore_mem>>)
        %slice3A_293 = vector.extract_strided_slice %get3A_35 {offsets = [8], sizes = [1], strides = [1]} : vector<16xi32> to vector<1xi32>
        %squeeze3A_294 = vector.extract %slice3A_293[0] : i32 from vector<1xi32>
        %add3A_295 = arith.constant 8 : i32
        %add3A_296 = arith.addi %add3A_32, %add3A_295 : i32
        %dma_start3A_297 = arith.constant 0 : i32
        %dma_start3A_298 = tpu.memref_slice %arg8[%add3A_296, %dma_start3A_297] : memref<256x64xf32, #tpu.memory_space<vmem>> -> memref<1x64xf32, #tpu.memory_space<vmem>>
        %dma_start3A_299 = tpu.memref_squeeze %dma_start3A_298 : memref<1x64xf32, #tpu.memory_space<vmem>> -> memref<64xf32, #tpu.memory_space<vmem>>
        %dma_start3A_300 = arith.constant 0 : i32
        %dma_start3A_301 = tpu.memref_slice %arg2[%squeeze3A_294, %dma_start3A_300] : memref<1000000x64xf32, #tpu.memory_space<hbm>> -> memref<1x64xf32, #tpu.memory_space<hbm>>
        %dma_start3A_302 = tpu.memref_squeeze %dma_start3A_301 : memref<1x64xf32, #tpu.memory_space<hbm>> -> memref<64xf32, #tpu.memory_space<hbm>>
        %dma_start3A_303 = arith.constant 0 : i32
        %dma_start3A_304 = tpu.memref_slice %arg8[%add3A_296, %dma_start3A_303] : memref<256x64xf32, #tpu.memory_space<vmem>> -> memref<1x64xf32, #tpu.memory_space<vmem>>
        %dma_start3A_305 = tpu.memref_squeeze %dma_start3A_304 : memref<1x64xf32, #tpu.memory_space<vmem>> -> memref<64xf32, #tpu.memory_space<vmem>>
        %dma_start3A_306 = arith.constant 0 : i32
        %dma_start3A_307 = tpu.memref_slice %arg2[%squeeze3A_294, %dma_start3A_306] : memref<1000000x64xf32, #tpu.memory_space<hbm>> -> memref<1x64xf32, #tpu.memory_space<hbm>>
        %dma_start3A_308 = tpu.memref_squeeze %dma_start3A_307 : memref<1x64xf32, #tpu.memory_space<hbm>> -> memref<64xf32, #tpu.memory_space<hbm>>
        tpu.enqueue_dma source(%dma_start3A_308 : memref<64xf32, #tpu.memory_space<hbm>>) target(%dma_start3A_305 : memref<64xf32, #tpu.memory_space<vmem>>) target_semaphore(%arg10 : memref<!tpu.dma_semaphore, #tpu.memory_space<semaphore_mem>>)
        %slice3A_309 = vector.extract_strided_slice %get3A_39 {offsets = [8], sizes = [1], strides = [1]} : vector<16xi32> to vector<1xi32>
        %squeeze3A_310 = vector.extract %slice3A_309[0] : i32 from vector<1xi32>
        %add3A_311 = arith.constant 8 : i32
        %add3A_312 = arith.addi %add3A_32, %add3A_311 : i32
        %dma_start3A_313 = arith.constant 0 : i32
        %dma_start3A_314 = tpu.memref_slice %arg9[%add3A_312, %dma_start3A_313] : memref<256x64xf32, #tpu.memory_space<vmem>> -> memref<1x64xf32, #tpu.memory_space<vmem>>
        %dma_start3A_315 = tpu.memref_squeeze %dma_start3A_314 : memref<1x64xf32, #tpu.memory_space<vmem>> -> memref<64xf32, #tpu.memory_space<vmem>>
        %dma_start3A_316 = arith.constant 0 : i32
        %dma_start3A_317 = tpu.memref_slice %arg2[%squeeze3A_310, %dma_start3A_316] : memref<1000000x64xf32, #tpu.memory_space<hbm>> -> memref<1x64xf32, #tpu.memory_space<hbm>>
        %dma_start3A_318 = tpu.memref_squeeze %dma_start3A_317 : memref<1x64xf32, #tpu.memory_space<hbm>> -> memref<64xf32, #tpu.memory_space<hbm>>
        %dma_start3A_319 = arith.constant 0 : i32
        %dma_start3A_320 = tpu.memref_slice %arg9[%add3A_312, %dma_start3A_319] : memref<256x64xf32, #tpu.memory_space<vmem>> -> memref<1x64xf32, #tpu.memory_space<vmem>>
        %dma_start3A_321 = tpu.memref_squeeze %dma_start3A_320 : memref<1x64xf32, #tpu.memory_space<vmem>> -> memref<64xf32, #tpu.memory_space<vmem>>
        %dma_start3A_322 = arith.constant 0 : i32
        %dma_start3A_323 = tpu.memref_slice %arg2[%squeeze3A_310, %dma_start3A_322] : memref<1000000x64xf32, #tpu.memory_space<hbm>> -> memref<1x64xf32, #tpu.memory_space<hbm>>
        %dma_start3A_324 = tpu.memref_squeeze %dma_start3A_323 : memref<1x64xf32, #tpu.memory_space<hbm>> -> memref<64xf32, #tpu.memory_space<hbm>>
        tpu.enqueue_dma source(%dma_start3A_324 : memref<64xf32, #tpu.memory_space<hbm>>) target(%dma_start3A_321 : memref<64xf32, #tpu.memory_space<vmem>>) target_semaphore(%arg11 : memref<!tpu.dma_semaphore, #tpu.memory_space<semaphore_mem>>)
        %slice3A_325 = vector.extract_strided_slice %get3A_35 {offsets = [9], sizes = [1], strides = [1]} : vector<16xi32> to vector<1xi32>
        %squeeze3A_326 = vector.extract %slice3A_325[0] : i32 from vector<1xi32>
        %add3A_327 = arith.constant 9 : i32
        %add3A_328 = arith.addi %add3A_32, %add3A_327 : i32
        %dma_start3A_329 = arith.constant 0 : i32
        %dma_start3A_330 = tpu.memref_slice %arg8[%add3A_328, %dma_start3A_329] : memref<256x64xf32, #tpu.memory_space<vmem>> -> memref<1x64xf32, #tpu.memory_space<vmem>>
        %dma_start3A_331 = tpu.memref_squeeze %dma_start3A_330 : memref<1x64xf32, #tpu.memory_space<vmem>> -> memref<64xf32, #tpu.memory_space<vmem>>
        %dma_start3A_332 = arith.constant 0 : i32
        %dma_start3A_333 = tpu.memref_slice %arg2[%squeeze3A_326, %dma_start3A_332] : memref<1000000x64xf32, #tpu.memory_space<hbm>> -> memref<1x64xf32, #tpu.memory_space<hbm>>
        %dma_start3A_334 = tpu.memref_squeeze %dma_start3A_333 : memref<1x64xf32, #tpu.memory_space<hbm>> -> memref<64xf32, #tpu.memory_space<hbm>>
        %dma_start3A_335 = arith.constant 0 : i32
        %dma_start3A_336 = tpu.memref_slice %arg8[%add3A_328, %dma_start3A_335] : memref<256x64xf32, #tpu.memory_space<vmem>> -> memref<1x64xf32, #tpu.memory_space<vmem>>
        %dma_start3A_337 = tpu.memref_squeeze %dma_start3A_336 : memref<1x64xf32, #tpu.memory_space<vmem>> -> memref<64xf32, #tpu.memory_space<vmem>>
        %dma_start3A_338 = arith.constant 0 : i32
        %dma_start3A_339 = tpu.memref_slice %arg2[%squeeze3A_326, %dma_start3A_338] : memref<1000000x64xf32, #tpu.memory_space<hbm>> -> memref<1x64xf32, #tpu.memory_space<hbm>>
        %dma_start3A_340 = tpu.memref_squeeze %dma_start3A_339 : memref<1x64xf32, #tpu.memory_space<hbm>> -> memref<64xf32, #tpu.memory_space<hbm>>
        tpu.enqueue_dma source(%dma_start3A_340 : memref<64xf32, #tpu.memory_space<hbm>>) target(%dma_start3A_337 : memref<64xf32, #tpu.memory_space<vmem>>) target_semaphore(%arg10 : memref<!tpu.dma_semaphore, #tpu.memory_space<semaphore_mem>>)
        %slice3A_341 = vector.extract_strided_slice %get3A_39 {offsets = [9], sizes = [1], strides = [1]} : vector<16xi32> to vector<1xi32>
        %squeeze3A_342 = vector.extract %slice3A_341[0] : i32 from vector<1xi32>
        %add3A_343 = arith.constant 9 : i32
        %add3A_344 = arith.addi %add3A_32, %add3A_343 : i32
        %dma_start3A_345 = arith.constant 0 : i32
        %dma_start3A_346 = tpu.memref_slice %arg9[%add3A_344, %dma_start3A_345] : memref<256x64xf32, #tpu.memory_space<vmem>> -> memref<1x64xf32, #tpu.memory_space<vmem>>
        %dma_start3A_347 = tpu.memref_squeeze %dma_start3A_346 : memref<1x64xf32, #tpu.memory_space<vmem>> -> memref<64xf32, #tpu.memory_space<vmem>>
        %dma_start3A_348 = arith.constant 0 : i32
        %dma_start3A_349 = tpu.memref_slice %arg2[%squeeze3A_342, %dma_start3A_348] : memref<1000000x64xf32, #tpu.memory_space<hbm>> -> memref<1x64xf32, #tpu.memory_space<hbm>>
        %dma_start3A_350 = tpu.memref_squeeze %dma_start3A_349 : memref<1x64xf32, #tpu.memory_space<hbm>> -> memref<64xf32, #tpu.memory_space<hbm>>
        %dma_start3A_351 = arith.constant 0 : i32
        %dma_start3A_352 = tpu.memref_slice %arg9[%add3A_344, %dma_start3A_351] : memref<256x64xf32, #tpu.memory_space<vmem>> -> memref<1x64xf32, #tpu.memory_space<vmem>>
        %dma_start3A_353 = tpu.memref_squeeze %dma_start3A_352 : memref<1x64xf32, #tpu.memory_space<vmem>> -> memref<64xf32, #tpu.memory_space<vmem>>
        %dma_start3A_354 = arith.constant 0 : i32
        %dma_start3A_355 = tpu.memref_slice %arg2[%squeeze3A_342, %dma_start3A_354] : memref<1000000x64xf32, #tpu.memory_space<hbm>> -> memref<1x64xf32, #tpu.memory_space<hbm>>
        %dma_start3A_356 = tpu.memref_squeeze %dma_start3A_355 : memref<1x64xf32, #tpu.memory_space<hbm>> -> memref<64xf32, #tpu.memory_space<hbm>>
        tpu.enqueue_dma source(%dma_start3A_356 : memref<64xf32, #tpu.memory_space<hbm>>) target(%dma_start3A_353 : memref<64xf32, #tpu.memory_space<vmem>>) target_semaphore(%arg11 : memref<!tpu.dma_semaphore, #tpu.memory_space<semaphore_mem>>)
        %slice3A_357 = vector.extract_strided_slice %get3A_35 {offsets = [10], sizes = [1], strides = [1]} : vector<16xi32> to vector<1xi32>
        %squeeze3A_358 = vector.extract %slice3A_357[0] : i32 from vector<1xi32>
        %add3A_359 = arith.constant 10 : i32
        %add3A_360 = arith.addi %add3A_32, %add3A_359 : i32
        %dma_start3A_361 = arith.constant 0 : i32
        %dma_start3A_362 = tpu.memref_slice %arg8[%add3A_360, %dma_start3A_361] : memref<256x64xf32, #tpu.memory_space<vmem>> -> memref<1x64xf32, #tpu.memory_space<vmem>>
        %dma_start3A_363 = tpu.memref_squeeze %dma_start3A_362 : memref<1x64xf32, #tpu.memory_space<vmem>> -> memref<64xf32, #tpu.memory_space<vmem>>
        %dma_start3A_364 = arith.constant 0 : i32
        %dma_start3A_365 = tpu.memref_slice %arg2[%squeeze3A_358, %dma_start3A_364] : memref<1000000x64xf32, #tpu.memory_space<hbm>> -> memref<1x64xf32, #tpu.memory_space<hbm>>
        %dma_start3A_366 = tpu.memref_squeeze %dma_start3A_365 : memref<1x64xf32, #tpu.memory_space<hbm>> -> memref<64xf32, #tpu.memory_space<hbm>>
        %dma_start3A_367 = arith.constant 0 : i32
        %dma_start3A_368 = tpu.memref_slice %arg8[%add3A_360, %dma_start3A_367] : memref<256x64xf32, #tpu.memory_space<vmem>> -> memref<1x64xf32, #tpu.memory_space<vmem>>
        %dma_start3A_369 = tpu.memref_squeeze %dma_start3A_368 : memref<1x64xf32, #tpu.memory_space<vmem>> -> memref<64xf32, #tpu.memory_space<vmem>>
        %dma_start3A_370 = arith.constant 0 : i32
        %dma_start3A_371 = tpu.memref_slice %arg2[%squeeze3A_358, %dma_start3A_370] : memref<1000000x64xf32, #tpu.memory_space<hbm>> -> memref<1x64xf32, #tpu.memory_space<hbm>>
        %dma_start3A_372 = tpu.memref_squeeze %dma_start3A_371 : memref<1x64xf32, #tpu.memory_space<hbm>> -> memref<64xf32, #tpu.memory_space<hbm>>
        tpu.enqueue_dma source(%dma_start3A_372 : memref<64xf32, #tpu.memory_space<hbm>>) target(%dma_start3A_369 : memref<64xf32, #tpu.memory_space<vmem>>) target_semaphore(%arg10 : memref<!tpu.dma_semaphore, #tpu.memory_space<semaphore_mem>>)
        %slice3A_373 = vector.extract_strided_slice %get3A_39 {offsets = [10], sizes = [1], strides = [1]} : vector<16xi32> to vector<1xi32>
        %squeeze3A_374 = vector.extract %slice3A_373[0] : i32 from vector<1xi32>
        %add3A_375 = arith.constant 10 : i32
        %add3A_376 = arith.addi %add3A_32, %add3A_375 : i32
        %dma_start3A_377 = arith.constant 0 : i32
        %dma_start3A_378 = tpu.memref_slice %arg9[%add3A_376, %dma_start3A_377] : memref<256x64xf32, #tpu.memory_space<vmem>> -> memref<1x64xf32, #tpu.memory_space<vmem>>
        %dma_start3A_379 = tpu.memref_squeeze %dma_start3A_378 : memref<1x64xf32, #tpu.memory_space<vmem>> -> memref<64xf32, #tpu.memory_space<vmem>>
        %dma_start3A_380 = arith.constant 0 : i32
        %dma_start3A_381 = tpu.memref_slice %arg2[%squeeze3A_374, %dma_start3A_380] : memref<1000000x64xf32, #tpu.memory_space<hbm>> -> memref<1x64xf32, #tpu.memory_space<hbm>>
        %dma_start3A_382 = tpu.memref_squeeze %dma_start3A_381 : memref<1x64xf32, #tpu.memory_space<hbm>> -> memref<64xf32, #tpu.memory_space<hbm>>
        %dma_start3A_383 = arith.constant 0 : i32
        %dma_start3A_384 = tpu.memref_slice %arg9[%add3A_376, %dma_start3A_383] : memref<256x64xf32, #tpu.memory_space<vmem>> -> memref<1x64xf32, #tpu.memory_space<vmem>>
        %dma_start3A_385 = tpu.memref_squeeze %dma_start3A_384 : memref<1x64xf32, #tpu.memory_space<vmem>> -> memref<64xf32, #tpu.memory_space<vmem>>
        %dma_start3A_386 = arith.constant 0 : i32
        %dma_start3A_387 = tpu.memref_slice %arg2[%squeeze3A_374, %dma_start3A_386] : memref<1000000x64xf32, #tpu.memory_space<hbm>> -> memref<1x64xf32, #tpu.memory_space<hbm>>
        %dma_start3A_388 = tpu.memref_squeeze %dma_start3A_387 : memref<1x64xf32, #tpu.memory_space<hbm>> -> memref<64xf32, #tpu.memory_space<hbm>>
        tpu.enqueue_dma source(%dma_start3A_388 : memref<64xf32, #tpu.memory_space<hbm>>) target(%dma_start3A_385 : memref<64xf32, #tpu.memory_space<vmem>>) target_semaphore(%arg11 : memref<!tpu.dma_semaphore, #tpu.memory_space<semaphore_mem>>)
        %slice3A_389 = vector.extract_strided_slice %get3A_35 {offsets = [11], sizes = [1], strides = [1]} : vector<16xi32> to vector<1xi32>
        %squeeze3A_390 = vector.extract %slice3A_389[0] : i32 from vector<1xi32>
        %add3A_391 = arith.constant 11 : i32
        %add3A_392 = arith.addi %add3A_32, %add3A_391 : i32
        %dma_start3A_393 = arith.constant 0 : i32
        %dma_start3A_394 = tpu.memref_slice %arg8[%add3A_392, %dma_start3A_393] : memref<256x64xf32, #tpu.memory_space<vmem>> -> memref<1x64xf32, #tpu.memory_space<vmem>>
        %dma_start3A_395 = tpu.memref_squeeze %dma_start3A_394 : memref<1x64xf32, #tpu.memory_space<vmem>> -> memref<64xf32, #tpu.memory_space<vmem>>
        %dma_start3A_396 = arith.constant 0 : i32
        %dma_start3A_397 = tpu.memref_slice %arg2[%squeeze3A_390, %dma_start3A_396] : memref<1000000x64xf32, #tpu.memory_space<hbm>> -> memref<1x64xf32, #tpu.memory_space<hbm>>
        %dma_start3A_398 = tpu.memref_squeeze %dma_start3A_397 : memref<1x64xf32, #tpu.memory_space<hbm>> -> memref<64xf32, #tpu.memory_space<hbm>>
        %dma_start3A_399 = arith.constant 0 : i32
        %dma_start3A_400 = tpu.memref_slice %arg8[%add3A_392, %dma_start3A_399] : memref<256x64xf32, #tpu.memory_space<vmem>> -> memref<1x64xf32, #tpu.memory_space<vmem>>
        %dma_start3A_401 = tpu.memref_squeeze %dma_start3A_400 : memref<1x64xf32, #tpu.memory_space<vmem>> -> memref<64xf32, #tpu.memory_space<vmem>>
        %dma_start3A_402 = arith.constant 0 : i32
        %dma_start3A_403 = tpu.memref_slice %arg2[%squeeze3A_390, %dma_start3A_402] : memref<1000000x64xf32, #tpu.memory_space<hbm>> -> memref<1x64xf32, #tpu.memory_space<hbm>>
        %dma_start3A_404 = tpu.memref_squeeze %dma_start3A_403 : memref<1x64xf32, #tpu.memory_space<hbm>> -> memref<64xf32, #tpu.memory_space<hbm>>
        tpu.enqueue_dma source(%dma_start3A_404 : memref<64xf32, #tpu.memory_space<hbm>>) target(%dma_start3A_401 : memref<64xf32, #tpu.memory_space<vmem>>) target_semaphore(%arg10 : memref<!tpu.dma_semaphore, #tpu.memory_space<semaphore_mem>>)
        %slice3A_405 = vector.extract_strided_slice %get3A_39 {offsets = [11], sizes = [1], strides = [1]} : vector<16xi32> to vector<1xi32>
        %squeeze3A_406 = vector.extract %slice3A_405[0] : i32 from vector<1xi32>
        %add3A_407 = arith.constant 11 : i32
        %add3A_408 = arith.addi %add3A_32, %add3A_407 : i32
        %dma_start3A_409 = arith.constant 0 : i32
        %dma_start3A_410 = tpu.memref_slice %arg9[%add3A_408, %dma_start3A_409] : memref<256x64xf32, #tpu.memory_space<vmem>> -> memref<1x64xf32, #tpu.memory_space<vmem>>
        %dma_start3A_411 = tpu.memref_squeeze %dma_start3A_410 : memref<1x64xf32, #tpu.memory_space<vmem>> -> memref<64xf32, #tpu.memory_space<vmem>>
        %dma_start3A_412 = arith.constant 0 : i32
        %dma_start3A_413 = tpu.memref_slice %arg2[%squeeze3A_406, %dma_start3A_412] : memref<1000000x64xf32, #tpu.memory_space<hbm>> -> memref<1x64xf32, #tpu.memory_space<hbm>>
        %dma_start3A_414 = tpu.memref_squeeze %dma_start3A_413 : memref<1x64xf32, #tpu.memory_space<hbm>> -> memref<64xf32, #tpu.memory_space<hbm>>
        %dma_start3A_415 = arith.constant 0 : i32
        %dma_start3A_416 = tpu.memref_slice %arg9[%add3A_408, %dma_start3A_415] : memref<256x64xf32, #tpu.memory_space<vmem>> -> memref<1x64xf32, #tpu.memory_space<vmem>>
        %dma_start3A_417 = tpu.memref_squeeze %dma_start3A_416 : memref<1x64xf32, #tpu.memory_space<vmem>> -> memref<64xf32, #tpu.memory_space<vmem>>
        %dma_start3A_418 = arith.constant 0 : i32
        %dma_start3A_419 = tpu.memref_slice %arg2[%squeeze3A_406, %dma_start3A_418] : memref<1000000x64xf32, #tpu.memory_space<hbm>> -> memref<1x64xf32, #tpu.memory_space<hbm>>
        %dma_start3A_420 = tpu.memref_squeeze %dma_start3A_419 : memref<1x64xf32, #tpu.memory_space<hbm>> -> memref<64xf32, #tpu.memory_space<hbm>>
        tpu.enqueue_dma source(%dma_start3A_420 : memref<64xf32, #tpu.memory_space<hbm>>) target(%dma_start3A_417 : memref<64xf32, #tpu.memory_space<vmem>>) target_semaphore(%arg11 : memref<!tpu.dma_semaphore, #tpu.memory_space<semaphore_mem>>)
        %slice3A_421 = vector.extract_strided_slice %get3A_35 {offsets = [12], sizes = [1], strides = [1]} : vector<16xi32> to vector<1xi32>
        %squeeze3A_422 = vector.extract %slice3A_421[0] : i32 from vector<1xi32>
        %add3A_423 = arith.constant 12 : i32
        %add3A_424 = arith.addi %add3A_32, %add3A_423 : i32
        %dma_start3A_425 = arith.constant 0 : i32
        %dma_start3A_426 = tpu.memref_slice %arg8[%add3A_424, %dma_start3A_425] : memref<256x64xf32, #tpu.memory_space<vmem>> -> memref<1x64xf32, #tpu.memory_space<vmem>>
        %dma_start3A_427 = tpu.memref_squeeze %dma_start3A_426 : memref<1x64xf32, #tpu.memory_space<vmem>> -> memref<64xf32, #tpu.memory_space<vmem>>
        %dma_start3A_428 = arith.constant 0 : i32
        %dma_start3A_429 = tpu.memref_slice %arg2[%squeeze3A_422, %dma_start3A_428] : memref<1000000x64xf32, #tpu.memory_space<hbm>> -> memref<1x64xf32, #tpu.memory_space<hbm>>
        %dma_start3A_430 = tpu.memref_squeeze %dma_start3A_429 : memref<1x64xf32, #tpu.memory_space<hbm>> -> memref<64xf32, #tpu.memory_space<hbm>>
        %dma_start3A_431 = arith.constant 0 : i32
        %dma_start3A_432 = tpu.memref_slice %arg8[%add3A_424, %dma_start3A_431] : memref<256x64xf32, #tpu.memory_space<vmem>> -> memref<1x64xf32, #tpu.memory_space<vmem>>
        %dma_start3A_433 = tpu.memref_squeeze %dma_start3A_432 : memref<1x64xf32, #tpu.memory_space<vmem>> -> memref<64xf32, #tpu.memory_space<vmem>>
        %dma_start3A_434 = arith.constant 0 : i32
        %dma_start3A_435 = tpu.memref_slice %arg2[%squeeze3A_422, %dma_start3A_434] : memref<1000000x64xf32, #tpu.memory_space<hbm>> -> memref<1x64xf32, #tpu.memory_space<hbm>>
        %dma_start3A_436 = tpu.memref_squeeze %dma_start3A_435 : memref<1x64xf32, #tpu.memory_space<hbm>> -> memref<64xf32, #tpu.memory_space<hbm>>
        tpu.enqueue_dma source(%dma_start3A_436 : memref<64xf32, #tpu.memory_space<hbm>>) target(%dma_start3A_433 : memref<64xf32, #tpu.memory_space<vmem>>) target_semaphore(%arg10 : memref<!tpu.dma_semaphore, #tpu.memory_space<semaphore_mem>>)
        %slice3A_437 = vector.extract_strided_slice %get3A_39 {offsets = [12], sizes = [1], strides = [1]} : vector<16xi32> to vector<1xi32>
        %squeeze3A_438 = vector.extract %slice3A_437[0] : i32 from vector<1xi32>
        %add3A_439 = arith.constant 12 : i32
        %add3A_440 = arith.addi %add3A_32, %add3A_439 : i32
        %dma_start3A_441 = arith.constant 0 : i32
        %dma_start3A_442 = tpu.memref_slice %arg9[%add3A_440, %dma_start3A_441] : memref<256x64xf32, #tpu.memory_space<vmem>> -> memref<1x64xf32, #tpu.memory_space<vmem>>
        %dma_start3A_443 = tpu.memref_squeeze %dma_start3A_442 : memref<1x64xf32, #tpu.memory_space<vmem>> -> memref<64xf32, #tpu.memory_space<vmem>>
        %dma_start3A_444 = arith.constant 0 : i32
        %dma_start3A_445 = tpu.memref_slice %arg2[%squeeze3A_438, %dma_start3A_444] : memref<1000000x64xf32, #tpu.memory_space<hbm>> -> memref<1x64xf32, #tpu.memory_space<hbm>>
        %dma_start3A_446 = tpu.memref_squeeze %dma_start3A_445 : memref<1x64xf32, #tpu.memory_space<hbm>> -> memref<64xf32, #tpu.memory_space<hbm>>
        %dma_start3A_447 = arith.constant 0 : i32
        %dma_start3A_448 = tpu.memref_slice %arg9[%add3A_440, %dma_start3A_447] : memref<256x64xf32, #tpu.memory_space<vmem>> -> memref<1x64xf32, #tpu.memory_space<vmem>>
        %dma_start3A_449 = tpu.memref_squeeze %dma_start3A_448 : memref<1x64xf32, #tpu.memory_space<vmem>> -> memref<64xf32, #tpu.memory_space<vmem>>
        %dma_start3A_450 = arith.constant 0 : i32
        %dma_start3A_451 = tpu.memref_slice %arg2[%squeeze3A_438, %dma_start3A_450] : memref<1000000x64xf32, #tpu.memory_space<hbm>> -> memref<1x64xf32, #tpu.memory_space<hbm>>
        %dma_start3A_452 = tpu.memref_squeeze %dma_start3A_451 : memref<1x64xf32, #tpu.memory_space<hbm>> -> memref<64xf32, #tpu.memory_space<hbm>>
        tpu.enqueue_dma source(%dma_start3A_452 : memref<64xf32, #tpu.memory_space<hbm>>) target(%dma_start3A_449 : memref<64xf32, #tpu.memory_space<vmem>>) target_semaphore(%arg11 : memref<!tpu.dma_semaphore, #tpu.memory_space<semaphore_mem>>)
        %slice3A_453 = vector.extract_strided_slice %get3A_35 {offsets = [13], sizes = [1], strides = [1]} : vector<16xi32> to vector<1xi32>
        %squeeze3A_454 = vector.extract %slice3A_453[0] : i32 from vector<1xi32>
        %add3A_455 = arith.constant 13 : i32
        %add3A_456 = arith.addi %add3A_32, %add3A_455 : i32
        %dma_start3A_457 = arith.constant 0 : i32
        %dma_start3A_458 = tpu.memref_slice %arg8[%add3A_456, %dma_start3A_457] : memref<256x64xf32, #tpu.memory_space<vmem>> -> memref<1x64xf32, #tpu.memory_space<vmem>>
        %dma_start3A_459 = tpu.memref_squeeze %dma_start3A_458 : memref<1x64xf32, #tpu.memory_space<vmem>> -> memref<64xf32, #tpu.memory_space<vmem>>
        %dma_start3A_460 = arith.constant 0 : i32
        %dma_start3A_461 = tpu.memref_slice %arg2[%squeeze3A_454, %dma_start3A_460] : memref<1000000x64xf32, #tpu.memory_space<hbm>> -> memref<1x64xf32, #tpu.memory_space<hbm>>
        %dma_start3A_462 = tpu.memref_squeeze %dma_start3A_461 : memref<1x64xf32, #tpu.memory_space<hbm>> -> memref<64xf32, #tpu.memory_space<hbm>>
        %dma_start3A_463 = arith.constant 0 : i32
        %dma_start3A_464 = tpu.memref_slice %arg8[%add3A_456, %dma_start3A_463] : memref<256x64xf32, #tpu.memory_space<vmem>> -> memref<1x64xf32, #tpu.memory_space<vmem>>
        %dma_start3A_465 = tpu.memref_squeeze %dma_start3A_464 : memref<1x64xf32, #tpu.memory_space<vmem>> -> memref<64xf32, #tpu.memory_space<vmem>>
        %dma_start3A_466 = arith.constant 0 : i32
        %dma_start3A_467 = tpu.memref_slice %arg2[%squeeze3A_454, %dma_start3A_466] : memref<1000000x64xf32, #tpu.memory_space<hbm>> -> memref<1x64xf32, #tpu.memory_space<hbm>>
        %dma_start3A_468 = tpu.memref_squeeze %dma_start3A_467 : memref<1x64xf32, #tpu.memory_space<hbm>> -> memref<64xf32, #tpu.memory_space<hbm>>
        tpu.enqueue_dma source(%dma_start3A_468 : memref<64xf32, #tpu.memory_space<hbm>>) target(%dma_start3A_465 : memref<64xf32, #tpu.memory_space<vmem>>) target_semaphore(%arg10 : memref<!tpu.dma_semaphore, #tpu.memory_space<semaphore_mem>>)
        %slice3A_469 = vector.extract_strided_slice %get3A_39 {offsets = [13], sizes = [1], strides = [1]} : vector<16xi32> to vector<1xi32>
        %squeeze3A_470 = vector.extract %slice3A_469[0] : i32 from vector<1xi32>
        %add3A_471 = arith.constant 13 : i32
        %add3A_472 = arith.addi %add3A_32, %add3A_471 : i32
        %dma_start3A_473 = arith.constant 0 : i32
        %dma_start3A_474 = tpu.memref_slice %arg9[%add3A_472, %dma_start3A_473] : memref<256x64xf32, #tpu.memory_space<vmem>> -> memref<1x64xf32, #tpu.memory_space<vmem>>
        %dma_start3A_475 = tpu.memref_squeeze %dma_start3A_474 : memref<1x64xf32, #tpu.memory_space<vmem>> -> memref<64xf32, #tpu.memory_space<vmem>>
        %dma_start3A_476 = arith.constant 0 : i32
        %dma_start3A_477 = tpu.memref_slice %arg2[%squeeze3A_470, %dma_start3A_476] : memref<1000000x64xf32, #tpu.memory_space<hbm>> -> memref<1x64xf32, #tpu.memory_space<hbm>>
        %dma_start3A_478 = tpu.memref_squeeze %dma_start3A_477 : memref<1x64xf32, #tpu.memory_space<hbm>> -> memref<64xf32, #tpu.memory_space<hbm>>
        %dma_start3A_479 = arith.constant 0 : i32
        %dma_start3A_480 = tpu.memref_slice %arg9[%add3A_472, %dma_start3A_479] : memref<256x64xf32, #tpu.memory_space<vmem>> -> memref<1x64xf32, #tpu.memory_space<vmem>>
        %dma_start3A_481 = tpu.memref_squeeze %dma_start3A_480 : memref<1x64xf32, #tpu.memory_space<vmem>> -> memref<64xf32, #tpu.memory_space<vmem>>
        %dma_start3A_482 = arith.constant 0 : i32
        %dma_start3A_483 = tpu.memref_slice %arg2[%squeeze3A_470, %dma_start3A_482] : memref<1000000x64xf32, #tpu.memory_space<hbm>> -> memref<1x64xf32, #tpu.memory_space<hbm>>
        %dma_start3A_484 = tpu.memref_squeeze %dma_start3A_483 : memref<1x64xf32, #tpu.memory_space<hbm>> -> memref<64xf32, #tpu.memory_space<hbm>>
        tpu.enqueue_dma source(%dma_start3A_484 : memref<64xf32, #tpu.memory_space<hbm>>) target(%dma_start3A_481 : memref<64xf32, #tpu.memory_space<vmem>>) target_semaphore(%arg11 : memref<!tpu.dma_semaphore, #tpu.memory_space<semaphore_mem>>)
        %slice3A_485 = vector.extract_strided_slice %get3A_35 {offsets = [14], sizes = [1], strides = [1]} : vector<16xi32> to vector<1xi32>
        %squeeze3A_486 = vector.extract %slice3A_485[0] : i32 from vector<1xi32>
        %add3A_487 = arith.constant 14 : i32
        %add3A_488 = arith.addi %add3A_32, %add3A_487 : i32
        %dma_start3A_489 = arith.constant 0 : i32
        %dma_start3A_490 = tpu.memref_slice %arg8[%add3A_488, %dma_start3A_489] : memref<256x64xf32, #tpu.memory_space<vmem>> -> memref<1x64xf32, #tpu.memory_space<vmem>>
        %dma_start3A_491 = tpu.memref_squeeze %dma_start3A_490 : memref<1x64xf32, #tpu.memory_space<vmem>> -> memref<64xf32, #tpu.memory_space<vmem>>
        %dma_start3A_492 = arith.constant 0 : i32
        %dma_start3A_493 = tpu.memref_slice %arg2[%squeeze3A_486, %dma_start3A_492] : memref<1000000x64xf32, #tpu.memory_space<hbm>> -> memref<1x64xf32, #tpu.memory_space<hbm>>
        %dma_start3A_494 = tpu.memref_squeeze %dma_start3A_493 : memref<1x64xf32, #tpu.memory_space<hbm>> -> memref<64xf32, #tpu.memory_space<hbm>>
        %dma_start3A_495 = arith.constant 0 : i32
        %dma_start3A_496 = tpu.memref_slice %arg8[%add3A_488, %dma_start3A_495] : memref<256x64xf32, #tpu.memory_space<vmem>> -> memref<1x64xf32, #tpu.memory_space<vmem>>
        %dma_start3A_497 = tpu.memref_squeeze %dma_start3A_496 : memref<1x64xf32, #tpu.memory_space<vmem>> -> memref<64xf32, #tpu.memory_space<vmem>>
        %dma_start3A_498 = arith.constant 0 : i32
        %dma_start3A_499 = tpu.memref_slice %arg2[%squeeze3A_486, %dma_start3A_498] : memref<1000000x64xf32, #tpu.memory_space<hbm>> -> memref<1x64xf32, #tpu.memory_space<hbm>>
        %dma_start3A_500 = tpu.memref_squeeze %dma_start3A_499 : memref<1x64xf32, #tpu.memory_space<hbm>> -> memref<64xf32, #tpu.memory_space<hbm>>
        tpu.enqueue_dma source(%dma_start3A_500 : memref<64xf32, #tpu.memory_space<hbm>>) target(%dma_start3A_497 : memref<64xf32, #tpu.memory_space<vmem>>) target_semaphore(%arg10 : memref<!tpu.dma_semaphore, #tpu.memory_space<semaphore_mem>>)
        %slice3A_501 = vector.extract_strided_slice %get3A_39 {offsets = [14], sizes = [1], strides = [1]} : vector<16xi32> to vector<1xi32>
        %squeeze3A_502 = vector.extract %slice3A_501[0] : i32 from vector<1xi32>
        %add3A_503 = arith.constant 14 : i32
        %add3A_504 = arith.addi %add3A_32, %add3A_503 : i32
        %dma_start3A_505 = arith.constant 0 : i32
        %dma_start3A_506 = tpu.memref_slice %arg9[%add3A_504, %dma_start3A_505] : memref<256x64xf32, #tpu.memory_space<vmem>> -> memref<1x64xf32, #tpu.memory_space<vmem>>
        %dma_start3A_507 = tpu.memref_squeeze %dma_start3A_506 : memref<1x64xf32, #tpu.memory_space<vmem>> -> memref<64xf32, #tpu.memory_space<vmem>>
        %dma_start3A_508 = arith.constant 0 : i32
        %dma_start3A_509 = tpu.memref_slice %arg2[%squeeze3A_502, %dma_start3A_508] : memref<1000000x64xf32, #tpu.memory_space<hbm>> -> memref<1x64xf32, #tpu.memory_space<hbm>>
        %dma_start3A_510 = tpu.memref_squeeze %dma_start3A_509 : memref<1x64xf32, #tpu.memory_space<hbm>> -> memref<64xf32, #tpu.memory_space<hbm>>
        %dma_start3A_511 = arith.constant 0 : i32
        %dma_start3A_512 = tpu.memref_slice %arg9[%add3A_504, %dma_start3A_511] : memref<256x64xf32, #tpu.memory_space<vmem>> -> memref<1x64xf32, #tpu.memory_space<vmem>>
        %dma_start3A_513 = tpu.memref_squeeze %dma_start3A_512 : memref<1x64xf32, #tpu.memory_space<vmem>> -> memref<64xf32, #tpu.memory_space<vmem>>
        %dma_start3A_514 = arith.constant 0 : i32
        %dma_start3A_515 = tpu.memref_slice %arg2[%squeeze3A_502, %dma_start3A_514] : memref<1000000x64xf32, #tpu.memory_space<hbm>> -> memref<1x64xf32, #tpu.memory_space<hbm>>
        %dma_start3A_516 = tpu.memref_squeeze %dma_start3A_515 : memref<1x64xf32, #tpu.memory_space<hbm>> -> memref<64xf32, #tpu.memory_space<hbm>>
        tpu.enqueue_dma source(%dma_start3A_516 : memref<64xf32, #tpu.memory_space<hbm>>) target(%dma_start3A_513 : memref<64xf32, #tpu.memory_space<vmem>>) target_semaphore(%arg11 : memref<!tpu.dma_semaphore, #tpu.memory_space<semaphore_mem>>)
        %slice3A_517 = vector.extract_strided_slice %get3A_35 {offsets = [15], sizes = [1], strides = [1]} : vector<16xi32> to vector<1xi32>
        %squeeze3A_518 = vector.extract %slice3A_517[0] : i32 from vector<1xi32>
        %add3A_519 = arith.constant 15 : i32
        %add3A_520 = arith.addi %add3A_32, %add3A_519 : i32
        %dma_start3A_521 = arith.constant 0 : i32
        %dma_start3A_522 = tpu.memref_slice %arg8[%add3A_520, %dma_start3A_521] : memref<256x64xf32, #tpu.memory_space<vmem>> -> memref<1x64xf32, #tpu.memory_space<vmem>>
        %dma_start3A_523 = tpu.memref_squeeze %dma_start3A_522 : memref<1x64xf32, #tpu.memory_space<vmem>> -> memref<64xf32, #tpu.memory_space<vmem>>
        %dma_start3A_524 = arith.constant 0 : i32
        %dma_start3A_525 = tpu.memref_slice %arg2[%squeeze3A_518, %dma_start3A_524] : memref<1000000x64xf32, #tpu.memory_space<hbm>> -> memref<1x64xf32, #tpu.memory_space<hbm>>
        %dma_start3A_526 = tpu.memref_squeeze %dma_start3A_525 : memref<1x64xf32, #tpu.memory_space<hbm>> -> memref<64xf32, #tpu.memory_space<hbm>>
        %dma_start3A_527 = arith.constant 0 : i32
        %dma_start3A_528 = tpu.memref_slice %arg8[%add3A_520, %dma_start3A_527] : memref<256x64xf32, #tpu.memory_space<vmem>> -> memref<1x64xf32, #tpu.memory_space<vmem>>
        %dma_start3A_529 = tpu.memref_squeeze %dma_start3A_528 : memref<1x64xf32, #tpu.memory_space<vmem>> -> memref<64xf32, #tpu.memory_space<vmem>>
        %dma_start3A_530 = arith.constant 0 : i32
        %dma_start3A_531 = tpu.memref_slice %arg2[%squeeze3A_518, %dma_start3A_530] : memref<1000000x64xf32, #tpu.memory_space<hbm>> -> memref<1x64xf32, #tpu.memory_space<hbm>>
        %dma_start3A_532 = tpu.memref_squeeze %dma_start3A_531 : memref<1x64xf32, #tpu.memory_space<hbm>> -> memref<64xf32, #tpu.memory_space<hbm>>
        tpu.enqueue_dma source(%dma_start3A_532 : memref<64xf32, #tpu.memory_space<hbm>>) target(%dma_start3A_529 : memref<64xf32, #tpu.memory_space<vmem>>) target_semaphore(%arg10 : memref<!tpu.dma_semaphore, #tpu.memory_space<semaphore_mem>>)
        %slice3A_533 = vector.extract_strided_slice %get3A_39 {offsets = [15], sizes = [1], strides = [1]} : vector<16xi32> to vector<1xi32>
        %squeeze3A_534 = vector.extract %slice3A_533[0] : i32 from vector<1xi32>
        %add3A_535 = arith.constant 15 : i32
        %add3A_536 = arith.addi %add3A_32, %add3A_535 : i32
        %dma_start3A_537 = arith.constant 0 : i32
        %dma_start3A_538 = tpu.memref_slice %arg9[%add3A_536, %dma_start3A_537] : memref<256x64xf32, #tpu.memory_space<vmem>> -> memref<1x64xf32, #tpu.memory_space<vmem>>
        %dma_start3A_539 = tpu.memref_squeeze %dma_start3A_538 : memref<1x64xf32, #tpu.memory_space<vmem>> -> memref<64xf32, #tpu.memory_space<vmem>>
        %dma_start3A_540 = arith.constant 0 : i32
        %dma_start3A_541 = tpu.memref_slice %arg2[%squeeze3A_534, %dma_start3A_540] : memref<1000000x64xf32, #tpu.memory_space<hbm>> -> memref<1x64xf32, #tpu.memory_space<hbm>>
        %dma_start3A_542 = tpu.memref_squeeze %dma_start3A_541 : memref<1x64xf32, #tpu.memory_space<hbm>> -> memref<64xf32, #tpu.memory_space<hbm>>
        %dma_start3A_543 = arith.constant 0 : i32
        %dma_start3A_544 = tpu.memref_slice %arg9[%add3A_536, %dma_start3A_543] : memref<256x64xf32, #tpu.memory_space<vmem>> -> memref<1x64xf32, #tpu.memory_space<vmem>>
        %dma_start3A_545 = tpu.memref_squeeze %dma_start3A_544 : memref<1x64xf32, #tpu.memory_space<vmem>> -> memref<64xf32, #tpu.memory_space<vmem>>
        %dma_start3A_546 = arith.constant 0 : i32
        %dma_start3A_547 = tpu.memref_slice %arg2[%squeeze3A_534, %dma_start3A_546] : memref<1000000x64xf32, #tpu.memory_space<hbm>> -> memref<1x64xf32, #tpu.memory_space<hbm>>
        %dma_start3A_548 = tpu.memref_squeeze %dma_start3A_547 : memref<1x64xf32, #tpu.memory_space<hbm>> -> memref<64xf32, #tpu.memory_space<hbm>>
        tpu.enqueue_dma source(%dma_start3A_548 : memref<64xf32, #tpu.memory_space<hbm>>) target(%dma_start3A_545 : memref<64xf32, #tpu.memory_space<vmem>>) target_semaphore(%arg11 : memref<!tpu.dma_semaphore, #tpu.memory_space<semaphore_mem>>)
      }
      %scan3A_16 = arith.constant 16 : i32
      %scan3A_17 = arith.constant 0 : i32
      %scan3A_18 = arith.constant 32 : i32
      %scan3A_19 = arith.addi %scan3A_17, %scan3A_18 : i32
      %scan3A_20 = arith.constant 1 : i32
      scf.for %scan3A_28 = %scan3A_17 to %scan3A_19 step %scan3A_20  : i32 {
        %mul3A_29 = arith.constant 8 : i32
        %mul3A_30 = arith.muli %scan3A_28, %mul3A_29 : i32
        %add3A_31 = arith.constant 0 : i32
        %add3A_32 = arith.addi %add3A_31, %mul3A_30 : i32
        %add3A_33 = arith.constant 0 : i32
        %add3A_34 = arith.addi %add3A_32, %add3A_33 : i32
        %dma_wait3A = arith.constant 0 : i32
        %dma_wait3A_35 = arith.constant 0 : i32
        %dma_wait3A_36 = tpu.memref_slice %arg8[%add3A_34, %dma_wait3A_35] : memref<256x64xf32, #tpu.memory_space<vmem>> -> memref<1x64xf32, #tpu.memory_space<vmem>>
        %dma_wait3A_37 = tpu.memref_squeeze %dma_wait3A_36 : memref<1x64xf32, #tpu.memory_space<vmem>> -> memref<64xf32, #tpu.memory_space<vmem>>
        %dma_wait3A_38 = arith.constant 0 : i32
        %dma_wait3A_39 = tpu.memref_slice %arg2[%dma_wait3A, %dma_wait3A_38] : memref<1000000x64xf32, #tpu.memory_space<hbm>> -> memref<1x64xf32, #tpu.memory_space<hbm>>
        %dma_wait3A_40 = tpu.memref_squeeze %dma_wait3A_39 : memref<1x64xf32, #tpu.memory_space<hbm>> -> memref<64xf32, #tpu.memory_space<hbm>>
        %dma_wait3A_41 = arith.constant 0 : i32
        %dma_wait3A_42 = tpu.memref_slice %arg8[%add3A_34, %dma_wait3A_41] : memref<256x64xf32, #tpu.memory_space<vmem>> -> memref<1x64xf32, #tpu.memory_space<vmem>>
        %dma_wait3A_43 = tpu.memref_squeeze %dma_wait3A_42 : memref<1x64xf32, #tpu.memory_space<vmem>> -> memref<64xf32, #tpu.memory_space<vmem>>
        %dma_wait3A_44 = arith.constant 0 : i32
        %dma_wait3A_45 = tpu.memref_slice %arg2[%dma_wait3A, %dma_wait3A_44] : memref<1000000x64xf32, #tpu.memory_space<hbm>> -> memref<1x64xf32, #tpu.memory_space<hbm>>
        %dma_wait3A_46 = tpu.memref_squeeze %dma_wait3A_45 : memref<1x64xf32, #tpu.memory_space<hbm>> -> memref<64xf32, #tpu.memory_space<hbm>>
        tpu.wait_dma2 semaphore(%arg10 : memref<!tpu.dma_semaphore, #tpu.memory_space<semaphore_mem>>) src(%dma_wait3A_46 : memref<64xf32, #tpu.memory_space<hbm>>) dst(%dma_wait3A_43 : memref<64xf32, #tpu.memory_space<vmem>>)
        %dma_wait3A_47 = arith.constant 0 : i32
        %dma_wait3A_48 = arith.constant 0 : i32
        %dma_wait3A_49 = tpu.memref_slice %arg9[%add3A_34, %dma_wait3A_48] : memref<256x64xf32, #tpu.memory_space<vmem>> -> memref<1x64xf32, #tpu.memory_space<vmem>>
        %dma_wait3A_50 = tpu.memref_squeeze %dma_wait3A_49 : memref<1x64xf32, #tpu.memory_space<vmem>> -> memref<64xf32, #tpu.memory_space<vmem>>
        %dma_wait3A_51 = arith.constant 0 : i32
        %dma_wait3A_52 = tpu.memref_slice %arg2[%dma_wait3A_47, %dma_wait3A_51] : memref<1000000x64xf32, #tpu.memory_space<hbm>> -> memref<1x64xf32, #tpu.memory_space<hbm>>
        %dma_wait3A_53 = tpu.memref_squeeze %dma_wait3A_52 : memref<1x64xf32, #tpu.memory_space<hbm>> -> memref<64xf32, #tpu.memory_space<hbm>>
        %dma_wait3A_54 = arith.constant 0 : i32
        %dma_wait3A_55 = tpu.memref_slice %arg9[%add3A_34, %dma_wait3A_54] : memref<256x64xf32, #tpu.memory_space<vmem>> -> memref<1x64xf32, #tpu.memory_space<vmem>>
        %dma_wait3A_56 = tpu.memref_squeeze %dma_wait3A_55 : memref<1x64xf32, #tpu.memory_space<vmem>> -> memref<64xf32, #tpu.memory_space<vmem>>
        %dma_wait3A_57 = arith.constant 0 : i32
        %dma_wait3A_58 = tpu.memref_slice %arg2[%dma_wait3A_47, %dma_wait3A_57] : memref<1000000x64xf32, #tpu.memory_space<hbm>> -> memref<1x64xf32, #tpu.memory_space<hbm>>
        %dma_wait3A_59 = tpu.memref_squeeze %dma_wait3A_58 : memref<1x64xf32, #tpu.memory_space<hbm>> -> memref<64xf32, #tpu.memory_space<hbm>>
        tpu.wait_dma2 semaphore(%arg11 : memref<!tpu.dma_semaphore, #tpu.memory_space<semaphore_mem>>) src(%dma_wait3A_59 : memref<64xf32, #tpu.memory_space<hbm>>) dst(%dma_wait3A_56 : memref<64xf32, #tpu.memory_space<vmem>>)
        %add3A_60 = arith.constant 1 : i32
        %add3A_61 = arith.addi %add3A_32, %add3A_60 : i32
        %dma_wait3A_62 = arith.constant 0 : i32
        %dma_wait3A_63 = arith.constant 0 : i32
        %dma_wait3A_64 = tpu.memref_slice %arg8[%add3A_61, %dma_wait3A_63] : memref<256x64xf32, #tpu.memory_space<vmem>> -> memref<1x64xf32, #tpu.memory_space<vmem>>
        %dma_wait3A_65 = tpu.memref_squeeze %dma_wait3A_64 : memref<1x64xf32, #tpu.memory_space<vmem>> -> memref<64xf32, #tpu.memory_space<vmem>>
        %dma_wait3A_66 = arith.constant 0 : i32
        %dma_wait3A_67 = tpu.memref_slice %arg2[%dma_wait3A_62, %dma_wait3A_66] : memref<1000000x64xf32, #tpu.memory_space<hbm>> -> memref<1x64xf32, #tpu.memory_space<hbm>>
        %dma_wait3A_68 = tpu.memref_squeeze %dma_wait3A_67 : memref<1x64xf32, #tpu.memory_space<hbm>> -> memref<64xf32, #tpu.memory_space<hbm>>
        %dma_wait3A_69 = arith.constant 0 : i32
        %dma_wait3A_70 = tpu.memref_slice %arg8[%add3A_61, %dma_wait3A_69] : memref<256x64xf32, #tpu.memory_space<vmem>> -> memref<1x64xf32, #tpu.memory_space<vmem>>
        %dma_wait3A_71 = tpu.memref_squeeze %dma_wait3A_70 : memref<1x64xf32, #tpu.memory_space<vmem>> -> memref<64xf32, #tpu.memory_space<vmem>>
        %dma_wait3A_72 = arith.constant 0 : i32
        %dma_wait3A_73 = tpu.memref_slice %arg2[%dma_wait3A_62, %dma_wait3A_72] : memref<1000000x64xf32, #tpu.memory_space<hbm>> -> memref<1x64xf32, #tpu.memory_space<hbm>>
        %dma_wait3A_74 = tpu.memref_squeeze %dma_wait3A_73 : memref<1x64xf32, #tpu.memory_space<hbm>> -> memref<64xf32, #tpu.memory_space<hbm>>
        tpu.wait_dma2 semaphore(%arg10 : memref<!tpu.dma_semaphore, #tpu.memory_space<semaphore_mem>>) src(%dma_wait3A_74 : memref<64xf32, #tpu.memory_space<hbm>>) dst(%dma_wait3A_71 : memref<64xf32, #tpu.memory_space<vmem>>)
        %dma_wait3A_75 = arith.constant 0 : i32
        %dma_wait3A_76 = arith.constant 0 : i32
        %dma_wait3A_77 = tpu.memref_slice %arg9[%add3A_61, %dma_wait3A_76] : memref<256x64xf32, #tpu.memory_space<vmem>> -> memref<1x64xf32, #tpu.memory_space<vmem>>
        %dma_wait3A_78 = tpu.memref_squeeze %dma_wait3A_77 : memref<1x64xf32, #tpu.memory_space<vmem>> -> memref<64xf32, #tpu.memory_space<vmem>>
        %dma_wait3A_79 = arith.constant 0 : i32
        %dma_wait3A_80 = tpu.memref_slice %arg2[%dma_wait3A_75, %dma_wait3A_79] : memref<1000000x64xf32, #tpu.memory_space<hbm>> -> memref<1x64xf32, #tpu.memory_space<hbm>>
        %dma_wait3A_81 = tpu.memref_squeeze %dma_wait3A_80 : memref<1x64xf32, #tpu.memory_space<hbm>> -> memref<64xf32, #tpu.memory_space<hbm>>
        %dma_wait3A_82 = arith.constant 0 : i32
        %dma_wait3A_83 = tpu.memref_slice %arg9[%add3A_61, %dma_wait3A_82] : memref<256x64xf32, #tpu.memory_space<vmem>> -> memref<1x64xf32, #tpu.memory_space<vmem>>
        %dma_wait3A_84 = tpu.memref_squeeze %dma_wait3A_83 : memref<1x64xf32, #tpu.memory_space<vmem>> -> memref<64xf32, #tpu.memory_space<vmem>>
        %dma_wait3A_85 = arith.constant 0 : i32
        %dma_wait3A_86 = tpu.memref_slice %arg2[%dma_wait3A_75, %dma_wait3A_85] : memref<1000000x64xf32, #tpu.memory_space<hbm>> -> memref<1x64xf32, #tpu.memory_space<hbm>>
        %dma_wait3A_87 = tpu.memref_squeeze %dma_wait3A_86 : memref<1x64xf32, #tpu.memory_space<hbm>> -> memref<64xf32, #tpu.memory_space<hbm>>
        tpu.wait_dma2 semaphore(%arg11 : memref<!tpu.dma_semaphore, #tpu.memory_space<semaphore_mem>>) src(%dma_wait3A_87 : memref<64xf32, #tpu.memory_space<hbm>>) dst(%dma_wait3A_84 : memref<64xf32, #tpu.memory_space<vmem>>)
        %add3A_88 = arith.constant 2 : i32
        %add3A_89 = arith.addi %add3A_32, %add3A_88 : i32
        %dma_wait3A_90 = arith.constant 0 : i32
        %dma_wait3A_91 = arith.constant 0 : i32
        %dma_wait3A_92 = tpu.memref_slice %arg8[%add3A_89, %dma_wait3A_91] : memref<256x64xf32, #tpu.memory_space<vmem>> -> memref<1x64xf32, #tpu.memory_space<vmem>>
        %dma_wait3A_93 = tpu.memref_squeeze %dma_wait3A_92 : memref<1x64xf32, #tpu.memory_space<vmem>> -> memref<64xf32, #tpu.memory_space<vmem>>
        %dma_wait3A_94 = arith.constant 0 : i32
        %dma_wait3A_95 = tpu.memref_slice %arg2[%dma_wait3A_90, %dma_wait3A_94] : memref<1000000x64xf32, #tpu.memory_space<hbm>> -> memref<1x64xf32, #tpu.memory_space<hbm>>
        %dma_wait3A_96 = tpu.memref_squeeze %dma_wait3A_95 : memref<1x64xf32, #tpu.memory_space<hbm>> -> memref<64xf32, #tpu.memory_space<hbm>>
        %dma_wait3A_97 = arith.constant 0 : i32
        %dma_wait3A_98 = tpu.memref_slice %arg8[%add3A_89, %dma_wait3A_97] : memref<256x64xf32, #tpu.memory_space<vmem>> -> memref<1x64xf32, #tpu.memory_space<vmem>>
        %dma_wait3A_99 = tpu.memref_squeeze %dma_wait3A_98 : memref<1x64xf32, #tpu.memory_space<vmem>> -> memref<64xf32, #tpu.memory_space<vmem>>
        %dma_wait3A_100 = arith.constant 0 : i32
        %dma_wait3A_101 = tpu.memref_slice %arg2[%dma_wait3A_90, %dma_wait3A_100] : memref<1000000x64xf32, #tpu.memory_space<hbm>> -> memref<1x64xf32, #tpu.memory_space<hbm>>
        %dma_wait3A_102 = tpu.memref_squeeze %dma_wait3A_101 : memref<1x64xf32, #tpu.memory_space<hbm>> -> memref<64xf32, #tpu.memory_space<hbm>>
        tpu.wait_dma2 semaphore(%arg10 : memref<!tpu.dma_semaphore, #tpu.memory_space<semaphore_mem>>) src(%dma_wait3A_102 : memref<64xf32, #tpu.memory_space<hbm>>) dst(%dma_wait3A_99 : memref<64xf32, #tpu.memory_space<vmem>>)
        %dma_wait3A_103 = arith.constant 0 : i32
        %dma_wait3A_104 = arith.constant 0 : i32
        %dma_wait3A_105 = tpu.memref_slice %arg9[%add3A_89, %dma_wait3A_104] : memref<256x64xf32, #tpu.memory_space<vmem>> -> memref<1x64xf32, #tpu.memory_space<vmem>>
        %dma_wait3A_106 = tpu.memref_squeeze %dma_wait3A_105 : memref<1x64xf32, #tpu.memory_space<vmem>> -> memref<64xf32, #tpu.memory_space<vmem>>
        %dma_wait3A_107 = arith.constant 0 : i32
        %dma_wait3A_108 = tpu.memref_slice %arg2[%dma_wait3A_103, %dma_wait3A_107] : memref<1000000x64xf32, #tpu.memory_space<hbm>> -> memref<1x64xf32, #tpu.memory_space<hbm>>
        %dma_wait3A_109 = tpu.memref_squeeze %dma_wait3A_108 : memref<1x64xf32, #tpu.memory_space<hbm>> -> memref<64xf32, #tpu.memory_space<hbm>>
        %dma_wait3A_110 = arith.constant 0 : i32
        %dma_wait3A_111 = tpu.memref_slice %arg9[%add3A_89, %dma_wait3A_110] : memref<256x64xf32, #tpu.memory_space<vmem>> -> memref<1x64xf32, #tpu.memory_space<vmem>>
        %dma_wait3A_112 = tpu.memref_squeeze %dma_wait3A_111 : memref<1x64xf32, #tpu.memory_space<vmem>> -> memref<64xf32, #tpu.memory_space<vmem>>
        %dma_wait3A_113 = arith.constant 0 : i32
        %dma_wait3A_114 = tpu.memref_slice %arg2[%dma_wait3A_103, %dma_wait3A_113] : memref<1000000x64xf32, #tpu.memory_space<hbm>> -> memref<1x64xf32, #tpu.memory_space<hbm>>
        %dma_wait3A_115 = tpu.memref_squeeze %dma_wait3A_114 : memref<1x64xf32, #tpu.memory_space<hbm>> -> memref<64xf32, #tpu.memory_space<hbm>>
        tpu.wait_dma2 semaphore(%arg11 : memref<!tpu.dma_semaphore, #tpu.memory_space<semaphore_mem>>) src(%dma_wait3A_115 : memref<64xf32, #tpu.memory_space<hbm>>) dst(%dma_wait3A_112 : memref<64xf32, #tpu.memory_space<vmem>>)
        %add3A_116 = arith.constant 3 : i32
        %add3A_117 = arith.addi %add3A_32, %add3A_116 : i32
        %dma_wait3A_118 = arith.constant 0 : i32
        %dma_wait3A_119 = arith.constant 0 : i32
        %dma_wait3A_120 = tpu.memref_slice %arg8[%add3A_117, %dma_wait3A_119] : memref<256x64xf32, #tpu.memory_space<vmem>> -> memref<1x64xf32, #tpu.memory_space<vmem>>
        %dma_wait3A_121 = tpu.memref_squeeze %dma_wait3A_120 : memref<1x64xf32, #tpu.memory_space<vmem>> -> memref<64xf32, #tpu.memory_space<vmem>>
        %dma_wait3A_122 = arith.constant 0 : i32
        %dma_wait3A_123 = tpu.memref_slice %arg2[%dma_wait3A_118, %dma_wait3A_122] : memref<1000000x64xf32, #tpu.memory_space<hbm>> -> memref<1x64xf32, #tpu.memory_space<hbm>>
        %dma_wait3A_124 = tpu.memref_squeeze %dma_wait3A_123 : memref<1x64xf32, #tpu.memory_space<hbm>> -> memref<64xf32, #tpu.memory_space<hbm>>
        %dma_wait3A_125 = arith.constant 0 : i32
        %dma_wait3A_126 = tpu.memref_slice %arg8[%add3A_117, %dma_wait3A_125] : memref<256x64xf32, #tpu.memory_space<vmem>> -> memref<1x64xf32, #tpu.memory_space<vmem>>
        %dma_wait3A_127 = tpu.memref_squeeze %dma_wait3A_126 : memref<1x64xf32, #tpu.memory_space<vmem>> -> memref<64xf32, #tpu.memory_space<vmem>>
        %dma_wait3A_128 = arith.constant 0 : i32
        %dma_wait3A_129 = tpu.memref_slice %arg2[%dma_wait3A_118, %dma_wait3A_128] : memref<1000000x64xf32, #tpu.memory_space<hbm>> -> memref<1x64xf32, #tpu.memory_space<hbm>>
        %dma_wait3A_130 = tpu.memref_squeeze %dma_wait3A_129 : memref<1x64xf32, #tpu.memory_space<hbm>> -> memref<64xf32, #tpu.memory_space<hbm>>
        tpu.wait_dma2 semaphore(%arg10 : memref<!tpu.dma_semaphore, #tpu.memory_space<semaphore_mem>>) src(%dma_wait3A_130 : memref<64xf32, #tpu.memory_space<hbm>>) dst(%dma_wait3A_127 : memref<64xf32, #tpu.memory_space<vmem>>)
        %dma_wait3A_131 = arith.constant 0 : i32
        %dma_wait3A_132 = arith.constant 0 : i32
        %dma_wait3A_133 = tpu.memref_slice %arg9[%add3A_117, %dma_wait3A_132] : memref<256x64xf32, #tpu.memory_space<vmem>> -> memref<1x64xf32, #tpu.memory_space<vmem>>
        %dma_wait3A_134 = tpu.memref_squeeze %dma_wait3A_133 : memref<1x64xf32, #tpu.memory_space<vmem>> -> memref<64xf32, #tpu.memory_space<vmem>>
        %dma_wait3A_135 = arith.constant 0 : i32
        %dma_wait3A_136 = tpu.memref_slice %arg2[%dma_wait3A_131, %dma_wait3A_135] : memref<1000000x64xf32, #tpu.memory_space<hbm>> -> memref<1x64xf32, #tpu.memory_space<hbm>>
        %dma_wait3A_137 = tpu.memref_squeeze %dma_wait3A_136 : memref<1x64xf32, #tpu.memory_space<hbm>> -> memref<64xf32, #tpu.memory_space<hbm>>
        %dma_wait3A_138 = arith.constant 0 : i32
        %dma_wait3A_139 = tpu.memref_slice %arg9[%add3A_117, %dma_wait3A_138] : memref<256x64xf32, #tpu.memory_space<vmem>> -> memref<1x64xf32, #tpu.memory_space<vmem>>
        %dma_wait3A_140 = tpu.memref_squeeze %dma_wait3A_139 : memref<1x64xf32, #tpu.memory_space<vmem>> -> memref<64xf32, #tpu.memory_space<vmem>>
        %dma_wait3A_141 = arith.constant 0 : i32
        %dma_wait3A_142 = tpu.memref_slice %arg2[%dma_wait3A_131, %dma_wait3A_141] : memref<1000000x64xf32, #tpu.memory_space<hbm>> -> memref<1x64xf32, #tpu.memory_space<hbm>>
        %dma_wait3A_143 = tpu.memref_squeeze %dma_wait3A_142 : memref<1x64xf32, #tpu.memory_space<hbm>> -> memref<64xf32, #tpu.memory_space<hbm>>
        tpu.wait_dma2 semaphore(%arg11 : memref<!tpu.dma_semaphore, #tpu.memory_space<semaphore_mem>>) src(%dma_wait3A_143 : memref<64xf32, #tpu.memory_space<hbm>>) dst(%dma_wait3A_140 : memref<64xf32, #tpu.memory_space<vmem>>)
        %add3A_144 = arith.constant 4 : i32
        %add3A_145 = arith.addi %add3A_32, %add3A_144 : i32
        %dma_wait3A_146 = arith.constant 0 : i32
        %dma_wait3A_147 = arith.constant 0 : i32
        %dma_wait3A_148 = tpu.memref_slice %arg8[%add3A_145, %dma_wait3A_147] : memref<256x64xf32, #tpu.memory_space<vmem>> -> memref<1x64xf32, #tpu.memory_space<vmem>>
        %dma_wait3A_149 = tpu.memref_squeeze %dma_wait3A_148 : memref<1x64xf32, #tpu.memory_space<vmem>> -> memref<64xf32, #tpu.memory_space<vmem>>
        %dma_wait3A_150 = arith.constant 0 : i32
        %dma_wait3A_151 = tpu.memref_slice %arg2[%dma_wait3A_146, %dma_wait3A_150] : memref<1000000x64xf32, #tpu.memory_space<hbm>> -> memref<1x64xf32, #tpu.memory_space<hbm>>
        %dma_wait3A_152 = tpu.memref_squeeze %dma_wait3A_151 : memref<1x64xf32, #tpu.memory_space<hbm>> -> memref<64xf32, #tpu.memory_space<hbm>>
        %dma_wait3A_153 = arith.constant 0 : i32
        %dma_wait3A_154 = tpu.memref_slice %arg8[%add3A_145, %dma_wait3A_153] : memref<256x64xf32, #tpu.memory_space<vmem>> -> memref<1x64xf32, #tpu.memory_space<vmem>>
        %dma_wait3A_155 = tpu.memref_squeeze %dma_wait3A_154 : memref<1x64xf32, #tpu.memory_space<vmem>> -> memref<64xf32, #tpu.memory_space<vmem>>
        %dma_wait3A_156 = arith.constant 0 : i32
        %dma_wait3A_157 = tpu.memref_slice %arg2[%dma_wait3A_146, %dma_wait3A_156] : memref<1000000x64xf32, #tpu.memory_space<hbm>> -> memref<1x64xf32, #tpu.memory_space<hbm>>
        %dma_wait3A_158 = tpu.memref_squeeze %dma_wait3A_157 : memref<1x64xf32, #tpu.memory_space<hbm>> -> memref<64xf32, #tpu.memory_space<hbm>>
        tpu.wait_dma2 semaphore(%arg10 : memref<!tpu.dma_semaphore, #tpu.memory_space<semaphore_mem>>) src(%dma_wait3A_158 : memref<64xf32, #tpu.memory_space<hbm>>) dst(%dma_wait3A_155 : memref<64xf32, #tpu.memory_space<vmem>>)
        %dma_wait3A_159 = arith.constant 0 : i32
        %dma_wait3A_160 = arith.constant 0 : i32
        %dma_wait3A_161 = tpu.memref_slice %arg9[%add3A_145, %dma_wait3A_160] : memref<256x64xf32, #tpu.memory_space<vmem>> -> memref<1x64xf32, #tpu.memory_space<vmem>>
        %dma_wait3A_162 = tpu.memref_squeeze %dma_wait3A_161 : memref<1x64xf32, #tpu.memory_space<vmem>> -> memref<64xf32, #tpu.memory_space<vmem>>
        %dma_wait3A_163 = arith.constant 0 : i32
        %dma_wait3A_164 = tpu.memref_slice %arg2[%dma_wait3A_159, %dma_wait3A_163] : memref<1000000x64xf32, #tpu.memory_space<hbm>> -> memref<1x64xf32, #tpu.memory_space<hbm>>
        %dma_wait3A_165 = tpu.memref_squeeze %dma_wait3A_164 : memref<1x64xf32, #tpu.memory_space<hbm>> -> memref<64xf32, #tpu.memory_space<hbm>>
        %dma_wait3A_166 = arith.constant 0 : i32
        %dma_wait3A_167 = tpu.memref_slice %arg9[%add3A_145, %dma_wait3A_166] : memref<256x64xf32, #tpu.memory_space<vmem>> -> memref<1x64xf32, #tpu.memory_space<vmem>>
        %dma_wait3A_168 = tpu.memref_squeeze %dma_wait3A_167 : memref<1x64xf32, #tpu.memory_space<vmem>> -> memref<64xf32, #tpu.memory_space<vmem>>
        %dma_wait3A_169 = arith.constant 0 : i32
        %dma_wait3A_170 = tpu.memref_slice %arg2[%dma_wait3A_159, %dma_wait3A_169] : memref<1000000x64xf32, #tpu.memory_space<hbm>> -> memref<1x64xf32, #tpu.memory_space<hbm>>
        %dma_wait3A_171 = tpu.memref_squeeze %dma_wait3A_170 : memref<1x64xf32, #tpu.memory_space<hbm>> -> memref<64xf32, #tpu.memory_space<hbm>>
        tpu.wait_dma2 semaphore(%arg11 : memref<!tpu.dma_semaphore, #tpu.memory_space<semaphore_mem>>) src(%dma_wait3A_171 : memref<64xf32, #tpu.memory_space<hbm>>) dst(%dma_wait3A_168 : memref<64xf32, #tpu.memory_space<vmem>>)
        %add3A_172 = arith.constant 5 : i32
        %add3A_173 = arith.addi %add3A_32, %add3A_172 : i32
        %dma_wait3A_174 = arith.constant 0 : i32
        %dma_wait3A_175 = arith.constant 0 : i32
        %dma_wait3A_176 = tpu.memref_slice %arg8[%add3A_173, %dma_wait3A_175] : memref<256x64xf32, #tpu.memory_space<vmem>> -> memref<1x64xf32, #tpu.memory_space<vmem>>
        %dma_wait3A_177 = tpu.memref_squeeze %dma_wait3A_176 : memref<1x64xf32, #tpu.memory_space<vmem>> -> memref<64xf32, #tpu.memory_space<vmem>>
        %dma_wait3A_178 = arith.constant 0 : i32
        %dma_wait3A_179 = tpu.memref_slice %arg2[%dma_wait3A_174, %dma_wait3A_178] : memref<1000000x64xf32, #tpu.memory_space<hbm>> -> memref<1x64xf32, #tpu.memory_space<hbm>>
        %dma_wait3A_180 = tpu.memref_squeeze %dma_wait3A_179 : memref<1x64xf32, #tpu.memory_space<hbm>> -> memref<64xf32, #tpu.memory_space<hbm>>
        %dma_wait3A_181 = arith.constant 0 : i32
        %dma_wait3A_182 = tpu.memref_slice %arg8[%add3A_173, %dma_wait3A_181] : memref<256x64xf32, #tpu.memory_space<vmem>> -> memref<1x64xf32, #tpu.memory_space<vmem>>
        %dma_wait3A_183 = tpu.memref_squeeze %dma_wait3A_182 : memref<1x64xf32, #tpu.memory_space<vmem>> -> memref<64xf32, #tpu.memory_space<vmem>>
        %dma_wait3A_184 = arith.constant 0 : i32
        %dma_wait3A_185 = tpu.memref_slice %arg2[%dma_wait3A_174, %dma_wait3A_184] : memref<1000000x64xf32, #tpu.memory_space<hbm>> -> memref<1x64xf32, #tpu.memory_space<hbm>>
        %dma_wait3A_186 = tpu.memref_squeeze %dma_wait3A_185 : memref<1x64xf32, #tpu.memory_space<hbm>> -> memref<64xf32, #tpu.memory_space<hbm>>
        tpu.wait_dma2 semaphore(%arg10 : memref<!tpu.dma_semaphore, #tpu.memory_space<semaphore_mem>>) src(%dma_wait3A_186 : memref<64xf32, #tpu.memory_space<hbm>>) dst(%dma_wait3A_183 : memref<64xf32, #tpu.memory_space<vmem>>)
        %dma_wait3A_187 = arith.constant 0 : i32
        %dma_wait3A_188 = arith.constant 0 : i32
        %dma_wait3A_189 = tpu.memref_slice %arg9[%add3A_173, %dma_wait3A_188] : memref<256x64xf32, #tpu.memory_space<vmem>> -> memref<1x64xf32, #tpu.memory_space<vmem>>
        %dma_wait3A_190 = tpu.memref_squeeze %dma_wait3A_189 : memref<1x64xf32, #tpu.memory_space<vmem>> -> memref<64xf32, #tpu.memory_space<vmem>>
        %dma_wait3A_191 = arith.constant 0 : i32
        %dma_wait3A_192 = tpu.memref_slice %arg2[%dma_wait3A_187, %dma_wait3A_191] : memref<1000000x64xf32, #tpu.memory_space<hbm>> -> memref<1x64xf32, #tpu.memory_space<hbm>>
        %dma_wait3A_193 = tpu.memref_squeeze %dma_wait3A_192 : memref<1x64xf32, #tpu.memory_space<hbm>> -> memref<64xf32, #tpu.memory_space<hbm>>
        %dma_wait3A_194 = arith.constant 0 : i32
        %dma_wait3A_195 = tpu.memref_slice %arg9[%add3A_173, %dma_wait3A_194] : memref<256x64xf32, #tpu.memory_space<vmem>> -> memref<1x64xf32, #tpu.memory_space<vmem>>
        %dma_wait3A_196 = tpu.memref_squeeze %dma_wait3A_195 : memref<1x64xf32, #tpu.memory_space<vmem>> -> memref<64xf32, #tpu.memory_space<vmem>>
        %dma_wait3A_197 = arith.constant 0 : i32
        %dma_wait3A_198 = tpu.memref_slice %arg2[%dma_wait3A_187, %dma_wait3A_197] : memref<1000000x64xf32, #tpu.memory_space<hbm>> -> memref<1x64xf32, #tpu.memory_space<hbm>>
        %dma_wait3A_199 = tpu.memref_squeeze %dma_wait3A_198 : memref<1x64xf32, #tpu.memory_space<hbm>> -> memref<64xf32, #tpu.memory_space<hbm>>
        tpu.wait_dma2 semaphore(%arg11 : memref<!tpu.dma_semaphore, #tpu.memory_space<semaphore_mem>>) src(%dma_wait3A_199 : memref<64xf32, #tpu.memory_space<hbm>>) dst(%dma_wait3A_196 : memref<64xf32, #tpu.memory_space<vmem>>)
        %add3A_200 = arith.constant 6 : i32
        %add3A_201 = arith.addi %add3A_32, %add3A_200 : i32
        %dma_wait3A_202 = arith.constant 0 : i32
        %dma_wait3A_203 = arith.constant 0 : i32
        %dma_wait3A_204 = tpu.memref_slice %arg8[%add3A_201, %dma_wait3A_203] : memref<256x64xf32, #tpu.memory_space<vmem>> -> memref<1x64xf32, #tpu.memory_space<vmem>>
        %dma_wait3A_205 = tpu.memref_squeeze %dma_wait3A_204 : memref<1x64xf32, #tpu.memory_space<vmem>> -> memref<64xf32, #tpu.memory_space<vmem>>
        %dma_wait3A_206 = arith.constant 0 : i32
        %dma_wait3A_207 = tpu.memref_slice %arg2[%dma_wait3A_202, %dma_wait3A_206] : memref<1000000x64xf32, #tpu.memory_space<hbm>> -> memref<1x64xf32, #tpu.memory_space<hbm>>
        %dma_wait3A_208 = tpu.memref_squeeze %dma_wait3A_207 : memref<1x64xf32, #tpu.memory_space<hbm>> -> memref<64xf32, #tpu.memory_space<hbm>>
        %dma_wait3A_209 = arith.constant 0 : i32
        %dma_wait3A_210 = tpu.memref_slice %arg8[%add3A_201, %dma_wait3A_209] : memref<256x64xf32, #tpu.memory_space<vmem>> -> memref<1x64xf32, #tpu.memory_space<vmem>>
        %dma_wait3A_211 = tpu.memref_squeeze %dma_wait3A_210 : memref<1x64xf32, #tpu.memory_space<vmem>> -> memref<64xf32, #tpu.memory_space<vmem>>
        %dma_wait3A_212 = arith.constant 0 : i32
        %dma_wait3A_213 = tpu.memref_slice %arg2[%dma_wait3A_202, %dma_wait3A_212] : memref<1000000x64xf32, #tpu.memory_space<hbm>> -> memref<1x64xf32, #tpu.memory_space<hbm>>
        %dma_wait3A_214 = tpu.memref_squeeze %dma_wait3A_213 : memref<1x64xf32, #tpu.memory_space<hbm>> -> memref<64xf32, #tpu.memory_space<hbm>>
        tpu.wait_dma2 semaphore(%arg10 : memref<!tpu.dma_semaphore, #tpu.memory_space<semaphore_mem>>) src(%dma_wait3A_214 : memref<64xf32, #tpu.memory_space<hbm>>) dst(%dma_wait3A_211 : memref<64xf32, #tpu.memory_space<vmem>>)
        %dma_wait3A_215 = arith.constant 0 : i32
        %dma_wait3A_216 = arith.constant 0 : i32
        %dma_wait3A_217 = tpu.memref_slice %arg9[%add3A_201, %dma_wait3A_216] : memref<256x64xf32, #tpu.memory_space<vmem>> -> memref<1x64xf32, #tpu.memory_space<vmem>>
        %dma_wait3A_218 = tpu.memref_squeeze %dma_wait3A_217 : memref<1x64xf32, #tpu.memory_space<vmem>> -> memref<64xf32, #tpu.memory_space<vmem>>
        %dma_wait3A_219 = arith.constant 0 : i32
        %dma_wait3A_220 = tpu.memref_slice %arg2[%dma_wait3A_215, %dma_wait3A_219] : memref<1000000x64xf32, #tpu.memory_space<hbm>> -> memref<1x64xf32, #tpu.memory_space<hbm>>
        %dma_wait3A_221 = tpu.memref_squeeze %dma_wait3A_220 : memref<1x64xf32, #tpu.memory_space<hbm>> -> memref<64xf32, #tpu.memory_space<hbm>>
        %dma_wait3A_222 = arith.constant 0 : i32
        %dma_wait3A_223 = tpu.memref_slice %arg9[%add3A_201, %dma_wait3A_222] : memref<256x64xf32, #tpu.memory_space<vmem>> -> memref<1x64xf32, #tpu.memory_space<vmem>>
        %dma_wait3A_224 = tpu.memref_squeeze %dma_wait3A_223 : memref<1x64xf32, #tpu.memory_space<vmem>> -> memref<64xf32, #tpu.memory_space<vmem>>
        %dma_wait3A_225 = arith.constant 0 : i32
        %dma_wait3A_226 = tpu.memref_slice %arg2[%dma_wait3A_215, %dma_wait3A_225] : memref<1000000x64xf32, #tpu.memory_space<hbm>> -> memref<1x64xf32, #tpu.memory_space<hbm>>
        %dma_wait3A_227 = tpu.memref_squeeze %dma_wait3A_226 : memref<1x64xf32, #tpu.memory_space<hbm>> -> memref<64xf32, #tpu.memory_space<hbm>>
        tpu.wait_dma2 semaphore(%arg11 : memref<!tpu.dma_semaphore, #tpu.memory_space<semaphore_mem>>) src(%dma_wait3A_227 : memref<64xf32, #tpu.memory_space<hbm>>) dst(%dma_wait3A_224 : memref<64xf32, #tpu.memory_space<vmem>>)
        %add3A_228 = arith.constant 7 : i32
        %add3A_229 = arith.addi %add3A_32, %add3A_228 : i32
        %dma_wait3A_230 = arith.constant 0 : i32
        %dma_wait3A_231 = arith.constant 0 : i32
        %dma_wait3A_232 = tpu.memref_slice %arg8[%add3A_229, %dma_wait3A_231] : memref<256x64xf32, #tpu.memory_space<vmem>> -> memref<1x64xf32, #tpu.memory_space<vmem>>
        %dma_wait3A_233 = tpu.memref_squeeze %dma_wait3A_232 : memref<1x64xf32, #tpu.memory_space<vmem>> -> memref<64xf32, #tpu.memory_space<vmem>>
        %dma_wait3A_234 = arith.constant 0 : i32
        %dma_wait3A_235 = tpu.memref_slice %arg2[%dma_wait3A_230, %dma_wait3A_234] : memref<1000000x64xf32, #tpu.memory_space<hbm>> -> memref<1x64xf32, #tpu.memory_space<hbm>>
        %dma_wait3A_236 = tpu.memref_squeeze %dma_wait3A_235 : memref<1x64xf32, #tpu.memory_space<hbm>> -> memref<64xf32, #tpu.memory_space<hbm>>
        %dma_wait3A_237 = arith.constant 0 : i32
        %dma_wait3A_238 = tpu.memref_slice %arg8[%add3A_229, %dma_wait3A_237] : memref<256x64xf32, #tpu.memory_space<vmem>> -> memref<1x64xf32, #tpu.memory_space<vmem>>
        %dma_wait3A_239 = tpu.memref_squeeze %dma_wait3A_238 : memref<1x64xf32, #tpu.memory_space<vmem>> -> memref<64xf32, #tpu.memory_space<vmem>>
        %dma_wait3A_240 = arith.constant 0 : i32
        %dma_wait3A_241 = tpu.memref_slice %arg2[%dma_wait3A_230, %dma_wait3A_240] : memref<1000000x64xf32, #tpu.memory_space<hbm>> -> memref<1x64xf32, #tpu.memory_space<hbm>>
        %dma_wait3A_242 = tpu.memref_squeeze %dma_wait3A_241 : memref<1x64xf32, #tpu.memory_space<hbm>> -> memref<64xf32, #tpu.memory_space<hbm>>
        tpu.wait_dma2 semaphore(%arg10 : memref<!tpu.dma_semaphore, #tpu.memory_space<semaphore_mem>>) src(%dma_wait3A_242 : memref<64xf32, #tpu.memory_space<hbm>>) dst(%dma_wait3A_239 : memref<64xf32, #tpu.memory_space<vmem>>)
        %dma_wait3A_243 = arith.constant 0 : i32
        %dma_wait3A_244 = arith.constant 0 : i32
        %dma_wait3A_245 = tpu.memref_slice %arg9[%add3A_229, %dma_wait3A_244] : memref<256x64xf32, #tpu.memory_space<vmem>> -> memref<1x64xf32, #tpu.memory_space<vmem>>
        %dma_wait3A_246 = tpu.memref_squeeze %dma_wait3A_245 : memref<1x64xf32, #tpu.memory_space<vmem>> -> memref<64xf32, #tpu.memory_space<vmem>>
        %dma_wait3A_247 = arith.constant 0 : i32
        %dma_wait3A_248 = tpu.memref_slice %arg2[%dma_wait3A_243, %dma_wait3A_247] : memref<1000000x64xf32, #tpu.memory_space<hbm>> -> memref<1x64xf32, #tpu.memory_space<hbm>>
        %dma_wait3A_249 = tpu.memref_squeeze %dma_wait3A_248 : memref<1x64xf32, #tpu.memory_space<hbm>> -> memref<64xf32, #tpu.memory_space<hbm>>
        %dma_wait3A_250 = arith.constant 0 : i32
        %dma_wait3A_251 = tpu.memref_slice %arg9[%add3A_229, %dma_wait3A_250] : memref<256x64xf32, #tpu.memory_space<vmem>> -> memref<1x64xf32, #tpu.memory_space<vmem>>
        %dma_wait3A_252 = tpu.memref_squeeze %dma_wait3A_251 : memref<1x64xf32, #tpu.memory_space<vmem>> -> memref<64xf32, #tpu.memory_space<vmem>>
        %dma_wait3A_253 = arith.constant 0 : i32
        %dma_wait3A_254 = tpu.memref_slice %arg2[%dma_wait3A_243, %dma_wait3A_253] : memref<1000000x64xf32, #tpu.memory_space<hbm>> -> memref<1x64xf32, #tpu.memory_space<hbm>>
        %dma_wait3A_255 = tpu.memref_squeeze %dma_wait3A_254 : memref<1x64xf32, #tpu.memory_space<hbm>> -> memref<64xf32, #tpu.memory_space<hbm>>
        tpu.wait_dma2 semaphore(%arg11 : memref<!tpu.dma_semaphore, #tpu.memory_space<semaphore_mem>>) src(%dma_wait3A_255 : memref<64xf32, #tpu.memory_space<hbm>>) dst(%dma_wait3A_252 : memref<64xf32, #tpu.memory_space<vmem>>)
      }
      %scan3A_21 = arith.constant 32 : i32
      %scan3A_22 = arith.constant 0 : i32
      %scan3A_23 = arith.constant 256 : i32
      %scan3A_24 = arith.addi %scan3A_22, %scan3A_23 : i32
      %scan3A_25 = arith.constant 1 : i32
      scf.for %scan3A_28 = %scan3A_22 to %scan3A_24 step %scan3A_25  : i32 {
        %mul3A_29 = arith.constant 1 : i32
        %mul3A_30 = arith.muli %scan3A_28, %mul3A_29 : i32
        %add3A_31 = arith.constant 0 : i32
        %add3A_32 = arith.addi %add3A_31, %mul3A_30 : i32
        %get3A = arith.index_cast %add3A_32 : i32 to index
        %get3A_33 = arith.constant 0 : index
        %get3A_34 = tpu.vector_load %arg8[%get3A, %get3A_33] {strides = array<i32>} : memref<256x64xf32, #tpu.memory_space<vmem>>, vector<1x16xf32>,
        %get3A_35 = vector.shape_cast %get3A_34 : vector<1x16xf32> to vector<16xf32>
        %get3A_36 = arith.index_cast %add3A_32 : i32 to index
        %get3A_37 = arith.constant 0 : index
        %get3A_38 = tpu.vector_load %arg9[%get3A_36, %get3A_37] {strides = array<i32>} : memref<256x64xf32, #tpu.memory_space<vmem>>, vector<1x16xf32>,
        %get3A_39 = vector.shape_cast %get3A_38 : vector<1x16xf32> to vector<16xf32>
        %mul3A_40 = arith.mulf %get3A_35, %get3A_39 : vector<16xf32>
        %swap3A = arith.index_cast %add3A_32 : i32 to index
        %swap3A_41 = arith.constant 0 : index
        %swap3A_42 = tpu.vector_load %arg8[%swap3A, %swap3A_41] {strides = array<i32>} : memref<256x64xf32, #tpu.memory_space<vmem>>, vector<1x16xf32>,
        %swap3A_43 = vector.shape_cast %swap3A_42 : vector<1x16xf32> to vector<16xf32>
        %swap3A_44 = vector.shape_cast %mul3A_40 : vector<16xf32> to vector<1x16xf32>
        tpu.vector_store %arg8[%swap3A, %swap3A_41], %swap3A_44 {strides = array<i32>} : memref<256x64xf32, #tpu.memory_space<vmem>>, vector<1x16xf32>,
        %get3A_45 = arith.index_cast %add3A_32 : i32 to index
        %get3A_46 = arith.constant 16 : index
        %get3A_47 = tpu.vector_load %arg8[%get3A_45, %get3A_46] {strides = array<i32>} : memref<256x64xf32, #tpu.memory_space<vmem>>, vector<1x16xf32>,
        %get3A_48 = vector.shape_cast %get3A_47 : vector<1x16xf32> to vector<16xf32>
        %get3A_49 = arith.index_cast %add3A_32 : i32 to index
        %get3A_50 = arith.constant 16 : index
        %get3A_51 = tpu.vector_load %arg9[%get3A_49, %get3A_50] {strides = array<i32>} : memref<256x64xf32, #tpu.memory_space<vmem>>, vector<1x16xf32>,
        %get3A_52 = vector.shape_cast %get3A_51 : vector<1x16xf32> to vector<16xf32>
        %mul3A_53 = arith.mulf %get3A_48, %get3A_52 : vector<16xf32>
        %swap3A_54 = arith.index_cast %add3A_32 : i32 to index
        %swap3A_55 = arith.constant 16 : index
        %swap3A_56 = tpu.vector_load %arg8[%swap3A_54, %swap3A_55] {strides = array<i32>} : memref<256x64xf32, #tpu.memory_space<vmem>>, vector<1x16xf32>,
        %swap3A_57 = vector.shape_cast %swap3A_56 : vector<1x16xf32> to vector<16xf32>
        %swap3A_58 = vector.shape_cast %mul3A_53 : vector<16xf32> to vector<1x16xf32>
        tpu.vector_store %arg8[%swap3A_54, %swap3A_55], %swap3A_58 {strides = array<i32>} : memref<256x64xf32, #tpu.memory_space<vmem>>, vector<1x16xf32>,
        %get3A_59 = arith.index_cast %add3A_32 : i32 to index
        %get3A_60 = arith.constant 32 : index
        %get3A_61 = tpu.vector_load %arg8[%get3A_59, %get3A_60] {strides = array<i32>} : memref<256x64xf32, #tpu.memory_space<vmem>>, vector<1x16xf32>,
        %get3A_62 = vector.shape_cast %get3A_61 : vector<1x16xf32> to vector<16xf32>
        %get3A_63 = arith.index_cast %add3A_32 : i32 to index
        %get3A_64 = arith.constant 32 : index
        %get3A_65 = tpu.vector_load %arg9[%get3A_63, %get3A_64] {strides = array<i32>} : memref<256x64xf32, #tpu.memory_space<vmem>>, vector<1x16xf32>,
        %get3A_66 = vector.shape_cast %get3A_65 : vector<1x16xf32> to vector<16xf32>
        %mul3A_67 = arith.mulf %get3A_62, %get3A_66 : vector<16xf32>
        %swap3A_68 = arith.index_cast %add3A_32 : i32 to index
        %swap3A_69 = arith.constant 32 : index
        %swap3A_70 = tpu.vector_load %arg8[%swap3A_68, %swap3A_69] {strides = array<i32>} : memref<256x64xf32, #tpu.memory_space<vmem>>, vector<1x16xf32>,
        %swap3A_71 = vector.shape_cast %swap3A_70 : vector<1x16xf32> to vector<16xf32>
        %swap3A_72 = vector.shape_cast %mul3A_67 : vector<16xf32> to vector<1x16xf32>
        tpu.vector_store %arg8[%swap3A_68, %swap3A_69], %swap3A_72 {strides = array<i32>} : memref<256x64xf32, #tpu.memory_space<vmem>>, vector<1x16xf32>,
        %get3A_73 = arith.index_cast %add3A_32 : i32 to index
        %get3A_74 = arith.constant 48 : index
        %get3A_75 = tpu.vector_load %arg8[%get3A_73, %get3A_74] {strides = array<i32>} : memref<256x64xf32, #tpu.memory_space<vmem>>, vector<1x16xf32>,
        %get3A_76 = vector.shape_cast %get3A_75 : vector<1x16xf32> to vector<16xf32>
        %get3A_77 = arith.index_cast %add3A_32 : i32 to index
        %get3A_78 = arith.constant 48 : index
        %get3A_79 = tpu.vector_load %arg9[%get3A_77, %get3A_78] {strides = array<i32>} : memref<256x64xf32, #tpu.memory_space<vmem>>, vector<1x16xf32>,
        %get3A_80 = vector.shape_cast %get3A_79 : vector<1x16xf32> to vector<16xf32>
        %mul3A_81 = arith.mulf %get3A_76, %get3A_80 : vector<16xf32>
        %swap3A_82 = arith.index_cast %add3A_32 : i32 to index
        %swap3A_83 = arith.constant 48 : index
        %swap3A_84 = tpu.vector_load %arg8[%swap3A_82, %swap3A_83] {strides = array<i32>} : memref<256x64xf32, #tpu.memory_space<vmem>>, vector<1x16xf32>,
        %swap3A_85 = vector.shape_cast %swap3A_84 : vector<1x16xf32> to vector<16xf32>
        %swap3A_86 = vector.shape_cast %mul3A_81 : vector<16xf32> to vector<1x16xf32>
        tpu.vector_store %arg8[%swap3A_82, %swap3A_83], %swap3A_86 {strides = array<i32>} : memref<256x64xf32, #tpu.memory_space<vmem>>, vector<1x16xf32>,
      }
      %scan3A_26 = arith.constant 256 : i32
      %add3A_27 = arith.addi %mul3A_2, %add3A_11 : i32
      "tpu.region"() ({
        %run_scoped3A = tpu.sem_alloc : memref<!tpu.dma_semaphore, #tpu.memory_space<semaphore_mem>>
        %dma_start3A = arith.constant 0 : i32
        %dma_start3A_28 = tpu.memref_slice %arg5[%add3A_27, %dma_start3A] : memref<16384x64xf32, #tpu.memory_space<hbm>> -> memref<256x64xf32, #tpu.memory_space<hbm>>
        %dma_start3A_29 = arith.constant 0 : i32
        %dma_start3A_30 = tpu.memref_slice %arg5[%add3A_27, %dma_start3A_29] : memref<16384x64xf32, #tpu.memory_space<hbm>> -> memref<256x64xf32, #tpu.memory_space<hbm>>
        tpu.enqueue_dma source(%arg8 : memref<256x64xf32, #tpu.memory_space<vmem>>) target(%dma_start3A_30 : memref<256x64xf32, #tpu.memory_space<hbm>>) target_semaphore(%run_scoped3A : memref<!tpu.dma_semaphore, #tpu.memory_space<semaphore_mem>>)
        %dma_wait3A = arith.constant 0 : i32
        %dma_wait3A_31 = tpu.memref_slice %arg5[%add3A_27, %dma_wait3A] : memref<16384x64xf32, #tpu.memory_space<hbm>> -> memref<256x64xf32, #tpu.memory_space<hbm>>
        %dma_wait3A_32 = arith.constant 0 : i32
        %dma_wait3A_33 = tpu.memref_slice %arg5[%add3A_27, %dma_wait3A_32] : memref<16384x64xf32, #tpu.memory_space<hbm>> -> memref<256x64xf32, #tpu.memory_space<hbm>>
        tpu.wait_dma2 semaphore(%run_scoped3A : memref<!tpu.dma_semaphore, #tpu.memory_space<semaphore_mem>>) src(%arg8 : memref<256x64xf32, #tpu.memory_space<vmem>>) dst(%dma_wait3A_33 : memref<256x64xf32, #tpu.memory_space<hbm>>)
        tpu.yield
      }) : () -> ()
    }
    %scan3A_6 = arith.constant 2 : i32
    return
  }
}

module attributes {stable_mosaic.version = 14 : i64} {
  func.func @_tc_kernel(%arg0: i32, %arg1: memref<2048x64xf32, #tpu.memory_space<vmem>>, %arg2: memref<1xf32, #tpu.memory_space<vmem>>, %arg3: memref<2048xf32, #tpu.memory_space<vmem>>) attributes {dimension_semantics = [#tpu.dimension_semantics<arbitrary>], iteration_bounds = array<i64: 8>, scalar_prefetch = 0 : i64, scratch_operands = 0 : i64, tpu.core_type = #tpu.core_type<tc>, window_params = [{transform_indices = @transform_0, window_bounds = array<i64: 2048, 64>}, {pipeline_mode = #tpu.pipeline_mode<synchronous>, transform_indices = @transform_1, window_bounds = array<i64: 1>}, {transform_indices = @transform_2, window_bounds = array<i64: 2048>}]} {
    %get3A = arith.constant 0 : index
    %get3A_0 = arith.constant 0 : index
    %get3A_1 = vector.load %arg1[%get3A, %get3A_0] : memref<2048x64xf32, #tpu.memory_space<vmem>>, vector<2048x64xf32>
    %reduce_sum3A = arith.constant dense<0.000000e+00> : vector<2048xf32>
    %reduce_sum3A_2 = vector.multi_reduction <add>, %get3A_1, %reduce_sum3A [1] : vector<2048x64xf32> to vector<2048xf32>
    %get3A_3 = arith.constant 0 : index
    %get3A_4 = vector.load %arg2[%get3A_3] : memref<1xf32, #tpu.memory_space<vmem>>, vector<1xf32>
    %get3A_5 = vector.extract %get3A_4[0] : f32 from vector<1xf32>
    %add3A = vector.broadcast %get3A_5 : f32 to vector<2048xf32>
    %add3A_6 = arith.addf %reduce_sum3A_2, %add3A : vector<2048xf32>
    %logistic3A = arith.negf %add3A_6 : vector<2048xf32>
    %logistic3A_7 = math.exp %logistic3A : vector<2048xf32>
    %logistic3A_8 = arith.constant 1.000000e+00 : f32
    %logistic3A_9 = vector.broadcast %logistic3A_8 : f32 to vector<2048xf32>
    %logistic3A_10 = arith.addf %logistic3A_9, %logistic3A_7 : vector<2048xf32>
    %logistic3A_11 = arith.divf %logistic3A_9, %logistic3A_10 : vector<2048xf32>
    %swap3A = arith.constant 0 : index
    %swap3A_12 = vector.load %arg3[%swap3A] : memref<2048xf32, #tpu.memory_space<vmem>>, vector<2048xf32>
    tpu.vector_store %arg3[%swap3A], %logistic3A_11 {strides = array<i32>} : memref<2048xf32, #tpu.memory_space<vmem>>, vector<2048xf32>,
    return
  }
  func.func @transform_0(%arg0: i32) -> (i32, i32) {
    %c0_i32 = arith.constant 0 : i32
    %c0_i32_0 = arith.constant 0 : i32
    return %arg0, %c0_i32 : i32, i32
  }
  func.func @transform_1(%arg0: i32) -> i32 {
    %c0_i32 = arith.constant 0 : i32
    %c0_i32_0 = arith.constant 0 : i32
    return %c0_i32 : i32
  }
  func.func @transform_2(%arg0: i32) -> i32 {
    %c0_i32 = arith.constant 0 : i32
    return %arg0 : i32
  }
}

</mosaic_0001>

<sc_bundles>
// kernel: kernel.4.cloned.1.call-start
scs
__scs_entry_jumppad:
0x0: {  	(pc) =	sbr.rel $0x88, $3  }
0x1: {  	(tag) =	ssettag $0x0;
	lr =	simm.s32 $0x1  }
0x2: {  	[smem:$0x3F9D] =	sst lr;
	_ =	strace $0xD0000000  }
0x3: {  	_ = 	snop  }
0x4: {  	_ = 	snop  }
0x5: {  	_ = 	snop  }
0x6: {  	_ = 	snop  }
0x7: {  	_ = 	snop  }
__scs_overlays_trampoline_lowered:
0x8: {  	[smem:$0x3FAC] =	sst s0  }
0x9: {  	[smem:$0x3FAD] =	sst s1  }
0xa: {  	[smem:$0x3FAE] =	sst s2  }
0xb: {  	[smem:$0x3FAF] =	sst s3  }
0xc: {  	[smem:$0x3FB0] =	sst s4  }
0xd: {  	[smem:$0x3FB1] =	sst s5  }
0xe: {  	[smem:$0x3FB2] =	sst s6  }
0xf: {  	[smem:$0x3FB3] =	sst s7  }
0x10: {  	[smem:$0x3FB4] =	sst s8  }
0x11: {  	[smem:$0x3FB5] =	sst s9;
	s0 =	simm.s32 @!p0 $0x0  }
0x12: {  	s1 =	sld [smem:$0x3F9B];
	s0 =	simm.s32 @p0 $0x1  }
0x13: {  	[smem:$0x3FB6] =	sst s0;
	s0 =	simm.s32 @!p1 $0x0  }
0x14: {  	s2 =	sld [smem:$0x3F9A];
	s0 =	simm.s32 @p1 $0x1  }
0x15: {  	[smem:$0x3FB7] =	sst s0;
	s0 =	simm.s32 @!p2 $0x0  }
0x16: {  	s3 =	sld [smem:$0x3FDB];
	s0 =	simm.s32 @p2 $0x1  }
0x17: {  	s4 =	simm.s32 $0x1BF5;
	[smem:$0x3FB9] =	sst s0  }
0x18: {  	s0 =	sld [smem:$0x3F9C];
	_ =	swait.ge [sflag:s4], $0x0  }
0x19: {  	s7 =	sld [smem:$0x3F9D]  }
0x1a: {  	s8 =	sadd.s32 $0xFFFFE003, lr  }
0x1b: {  	s9 =	sadd.s32 $0xFFFFFEF7, lr;
	s5 =	simm.s32 $0xFFFFFFFF;
	p2 =	slt.u32 s8, $0xFFFFF086  }
0x1c: {  	p1 =	slt.u32 s9, $0xF7A;
	s5 =	simm.s32 @!p2 $0x0  }
0x1d: {  	s5 =	simm.s32 @p1 $0x1;
	p0 =	seq.s32 s7, s2  }
0x1e: {  	s7 =	smul.u32 @!p0 $0xF7A, s2;
	p2 =	seq.s32 @!p0 s5, $0x0  }
0x1f: {  	s9 =	smul.u32 $0xF7A, s1;
	s8 =	simm.s32 @!p0 $0x1BF5;
	p2 =	por !p2, p0  }
0x20: {  	[sflag:s8] =	ssyncset.s32 @!p0 $0xFFFFF086;
	s6 =	sadd.s32 @!p0 s3, s7;
	s7 =	simm.s32 @!p0 $0x108  }
0x21: {  	s3 =	sadd.s32 s3, s9;
	s6 =	sadd.s32 @!p0 $0x88, s6;
	s7 =	simm.s32 @p2 $0x1082  }
0x22: {  	[simem:s7], [sflag:s8] =	dma.local @!p0 [hbm:s6], $0xF7A  }
0x23: {  	s9 =	sor.u32 $0xD0000000, s2;
	s6 =	simm.s32 $0x108;
	_ =	swait.ge @!p0 [sflag:s8], $0x0  }
0x24: {  	s3 =	sadd.s32 $0x88, s3;
	s6 =	simm.s32 @!p1 $0x1082;
	[sflag:s4] =	ssyncset.s32 $0xFFFFF086  }
0x25: {  	[simem:s6], [sflag:s4] =	dma.local [hbm:s3], $0xF7A  }
0x26: {  	[smem:$0x3F9D] =	sst s1;
	(tag) =	ssettag s2;
	_ =	strace s9  }
0x27: {  	s1 =	sld [smem:$0x3FAD]  }
0x28: {  	s2 =	sld [smem:$0x3FAE]  }
0x29: {  	s4 =	sld [smem:$0x3FB0]  }
0x2a: {  	p0 =	seq.s32 s5, $0x0;
	s5 =	sld [smem:$0x3FB1]  }
0x2b: {  	s6 =	sld [smem:$0x3FB2]  }
0x2c: {  	s7 =	sld [smem:$0x3FB3]  }
0x2d: {  	s3 =	simm.s32 $0x108;
	s8 =	sld [smem:$0x3FB4]  }
0x2e: {  	s3 =	simm.s32 @!p0 $0x1082;
	s9 =	sld [smem:$0x3FB5]  }
0x2f: {  	lr =	sadd.s32 s0, s3;
	s0 =	sld [smem:$0x3FAC]  }
0x30: {  	s3 =	sld [smem:$0x3FAF]  }
0x31: {  	[smem:$0x3FB8] =	sst s10  }
0x32: {  	s10 =	sld [smem:$0x3FB6];
	_ =	sdelay $0x3  }
0x33: {  	p0 =	seq.s32 s10, $0x1;
	s10 =	sld [smem:$0x3FB8];
	_ =	sdelay $0x3  }
0x34: {  	[smem:$0x3FB8] =	sst s10  }
0x35: {  	s10 =	sld [smem:$0x3FB7];
	_ =	sdelay $0x3  }
0x36: {  	p1 =	seq.s32 s10, $0x1;
	s10 =	sld [smem:$0x3FB8];
	_ =	sdelay $0x3  }
0x37: {  	[smem:$0x3FB8] =	sst s10  }
0x38: {  	s10 =	sld [smem:$0x3FB9]  }
0x39: {  	_ = 	snop;
	(pc) =	sbr.ind lr, $3  }
0x3a: {  	_ = 	snop  }
0x3b: {  	_ = 	snop  }
0x3c: {  	p2 =	seq.s32 s10, $0x1;
	s10 =	sld [smem:$0x3FB8]  }
0x3d: {  	_ =	shalt  }
0x3e: {  	_ =	shalt  }
0x3f: {  	_ =	shalt  }
0x40: {  	_ =	shalt  }
0x41: {  	_ =	shalt  }
0x42: {  	_ =	shalt  }
0x43: {  	_ =	shalt  }
0x44: {  	_ =	shalt  }
0x45: {  	_ =	shalt  }
0x46: {  	_ =	shalt  }
0x47: {  	_ =	shalt  }
0x48: {  	_ =	shalt  }
0x49: {  	_ =	shalt  }
0x4a: {  	_ =	shalt  }
0x4b: {  	_ =	shalt  }
0x4c: {  	_ =	shalt  }
0x4d: {  	_ =	shalt  }
0x4e: {  	_ =	shalt  }
0x4f: {  	_ =	shalt  }
0x50: {  	_ =	shalt  }
0x51: {  	_ =	shalt  }
0x52: {  	_ =	shalt  }
0x53: {  	_ =	shalt  }
0x54: {  	_ =	shalt  }
0x55: {  	_ =	shalt  }
0x56: {  	_ =	shalt  }
0x57: {  	_ =	shalt  }
0x58: {  	_ =	shalt  }
0x59: {  	_ =	shalt  }
0x5a: {  	_ =	shalt  }
0x5b: {  	_ =	shalt  }
0x5c: {  	_ =	shalt  }
0x5d: {  	_ =	shalt  }
0x5e: {  	_ =	shalt  }
0x5f: {  	_ =	shalt  }
0x60: {  	_ =	shalt  }
0x61: {  	_ =	shalt  }
0x62: {  	_ =	shalt  }
0x63: {  	_ =	shalt  }
0x64: {  	_ =	shalt  }
0x65: {  	_ =	shalt  }
0x66: {  	_ =	shalt  }
0x67: {  	_ =	shalt  }
0x68: {  	_ =	shalt  }
0x69: {  	_ =	shalt  }
0x6a: {  	_ =	shalt  }
0x6b: {  	_ =	shalt  }
0x6c: {  	_ =	shalt  }
0x6d: {  	_ =	shalt  }
0x6e: {  	_ =	shalt  }
0x6f: {  	_ =	shalt  }
0x70: {  	_ =	shalt  }
0x71: {  	_ =	shalt  }
0x72: {  	_ =	shalt  }
0x73: {  	_ =	shalt  }
0x74: {  	_ =	shalt  }
0x75: {  	_ =	shalt  }
0x76: {  	_ =	shalt  }
0x77: {  	_ =	shalt  }
0x78: {  	_ =	shalt  }
0x79: {  	_ =	shalt  }
0x7a: {  	_ =	shalt  }
0x7b: {  	_ =	shalt  }
0x7c: {  	_ =	shalt  }
0x7d: {  	_ =	shalt  }
0x7e: {  	_ =	shalt  }
0x7f: {  	_ =	shalt  }
0x80: {  	_ =	shalt  }
0x81: {  	_ =	shalt  }
0x82: {  	_ =	shalt  }
0x83: {  	_ =	shalt  }
0x84: {  	_ =	shalt  }
0x85: {  	_ =	shalt  }
0x86: {  	_ =	shalt  }
0x87: {  	_ =	shalt  }
.Lfunc_end0:
.L_simem_size_0:
called_computation_lowered:
.L_overlay_start_0:
0x88: {  	s2 =	sld [smem:$0x3FD9]  }
0x89: {  	s3 =	sld [smem:$0x3FFE];
	_ =	sdelay $0x1  }
0x8a: {  	s1 =	srdreg.scid  }
0x8b: {  	s0 =	sand.u32 $0x1, s1  }
0x8c: {  	s17 =	sshll.u32 s0, $0xA;
	s2 =	sadd.s32 s3, s2  }
0x8d: {  	s2 =	sadd.s32 s2, s17  }
0x8e: {  	[smem:$0x3FC4] =	sst s2  }
0x8f: {  	_ = 	snop  }
0x90: {  	s2 =	sld [smem:$0x3FC9]  }
0x91: {  	s18 =	sld [smem:$0x3FC8];
	(tm) =	ssettm $0x1  }
0x92: {  	s4 =	sld [smem:$0x3FFB];
	_ =	sdelay $0x3  }
0x93: {  	_ =	strace s4  }
0x94: {  	s4 =	sld [smem:$0x3FFC];
	_ =	sdelay $0x3  }
0x95: {  	_ =	strace s4  }
0x96: {  	s4 =	sld [smem:$0x3FFD];
	_ =	sdelay $0x3  }
0x97: {  	_ =	strace s4  }
0x98: {  	_ =	strace $0x8FFFFFFF  }
0x99: {  	s19 =	sld [smem:$0x3FDB];
	_ =	sdelay $0x1  }
0x9a: {  	s5 =	simm.s32 $_scs_section_size  }
0x9b: {  	s6 =	simm.s32 $_size__tile_overlayer_lowered;
	s7 =	simm.s32 $_tile_overlayer_lowered  }
0x9c: {  	s22 =	simm.s32 $0x1BFF;
	s21 =	sshll.u32 s7, $0x1;
	s4 =	sadd.s32 s5, s19  }
0x9d: {  	s8 =	simm.s32 $0x0;
	s20 =	sshll.u32 s6, $0x1;
	s6 =	sadd.s32 s21, s4  }
0x9e: {  	[timem:s8], [sflag:s22] =	dma.local [hbm:s6], s20  }
0x9f: {  	_ =	swait.ge [sflag:s22], s20  }
0xa0: {  	s5 =	ssub.s32 $0x0, s20;
	[sflag:s22] =	ssyncset.done $0x0  }
0xa1: {  	[sflag:s22] =	ssyncadd.s32 s5;
	_ =	sdelay $0x1  }
0xa2: {  	s23 =	simm.s32 $0x1B8B  }
0xa3: {  	_ =	swait.ge [sflag:s23], $0x1  }
0xa4: {  	[sflag:s23] =	ssyncset.done $0x0  }
0xa5: {  	s25 =	simm.s32 $0x1B8E;
	s24 =	sld [smem:$0x3FFE];
	[sflag:s23] =	ssyncadd.s32 $0xFFFFFFFF  }
0xa6: {  	s26 =	simm.s32 $execute0_lowered;
	[smem:$0x3FD2] =	sst s25  }
0xa7: {  	s6 =	sshll.u32 s26, $0x1;
	_ =	strace $0x80000046;
	[dreg:$0x1] =	wrdreg $0xFFFFFFFF  }
0xa8: {  	s28 =	simm.s32 $_size_execute0_lowered;
	s4 =	sadd.s32 s4, s6;
	[dreg:$0x0] =	wrdreg $0x0  }
0xa9: {  	s6 =	sshll.u32 s28, $0x1;
	[dreg:$0x2] =	wrdreg s4  }
0xaa: {  	[dreg:$0x3] =	wrdreg s6  }
0xab: {  	[dreg:$0x4] =	wrdreg $0xC0  }
0xac: {  	_ =	task [dreg:s8], $0x5FFFF  }
0xad: {  	[dreg:$0x1] =	wrdreg $0xFFFFFFFF  }
0xae: {  	[dreg:$0x0] =	wrdreg $0x60  }
0xaf: {  	[dreg:$0x2] =	wrdreg s24  }
0xb0: {  	[dreg:$0x3] =	wrdreg s2  }
0xb1: {  	[dreg:$0x4] =	wrdreg s18  }
0xb2: {  	[dreg:$0x5] =	wrdreg $0x9  }
0xb3: {  	_ =	task.clear_ibuf [dreg:s8], $0x6FFFF;
	_ =	strace $0x90000046  }
0xb4: {  	s29 =	simm.s32 $0x9;
	_ =	strace $0x80000048  }
0xb5: {  	_ =	swait.ge [sflag:s29], $0x1  }
0xb6: {  	[sflag:s29] =	ssyncadd.s32 $0xFFFFFFFF  }
0xb7: {  	_ =	strace $0x90000048  }
0xb8: {  	_ =	sfence  }
0xb9: {  	s30 =	sld [smem:$0x0];
	_ =	sdelay $0x2  }
0xba: {  	s31 =	sshll.u32 s1, $0xD;
	s1 =	sshrl.u32 s1, $0x2  }
0xbb: {  	s3 =	sand.u32 $0x4000, s31;
	s1 =	sadd.s32 s1, s30  }
0xbc: {  	s0 =	sor.u32 s3, s0;
	s1 =	sshll.u32 s1, $0x11  }
0xbd: {  	s0 =	sor.u32 s1, s0  }
0xbe: {  	s0 =	sadd.s32 $0x8F2B, s0  }
0xbf: {  	[sflag:s0] =	ssyncadd.remote.s32 $0x1  }
0xc0: {  	_ =	sfence.sel $0xFFFF  }
0xc1: {  	[dreg:$0x0] =	wrdreg $0xFFFFFFFF;
	(pc) =	sbr.abs _section_cstart, $3  }
0xc2: {  	[dreg:$0x1] =	wrdreg $0xFFFFFFFF  }
0xc3: {  	_ =	task.clear_ibuf [dreg:s8], $0x2FFFF;
	_ =	strace $0x9FFFFFFF  }
0xc4: {  	(tm) =	ssettm $0x7FFFFFFF  }
0xc5: {  	_ =	shalt  }
tec
execute0_lowered:
.L_overlay_start_1:
0x0: {  	(tag) =	ssettag $0x1  }
0x1: {  	s0 =	rddreg [dreg:$0x0]  }
0x2: {  	s1 =	rddreg [dreg:$0x1]  }
0x3: {  	s4 =	rddreg [dreg:$0x2];
	s2 =	simm.s32 $0x0;
	s3 =	srdreg.scid  }
0x4: {  	s6 =	stileid.u32;
	[smem:$0x7FF] =	sst s2;
	s3 =	sand.u32 $0x1, s3  }
0x5: {  	s6 =	sshll.u32 s6, $0xA;
	s5 =	ssub.s32 $0x2, s3;
	s7 =	sshll.u32 s3, $0x9  }
0x6: {  	s3 =	sadd.s32 $0x600, s0;
	s0 =	sadd.s32 $0xF42A00, s0;
	s6 =	sor.u32 s7, s6  }
0x7: {  	_ =	strace $0x80000047;
	[dreg:$0xf] =	wrdreg s0;
	s30 =	sshrl.u32 s6, $0x3  }
0x8: {  	s8 =	sshrl.u32 s5, $0x1;
	[dreg:$0xe] =	wrdreg s6;
	s1 =	sadd.s32 s1, s30  }
0x9: {  	s29 =	ssub.s32 s5, s8;
	s31 =	sadd.s32 s4, s30;
	[dreg:$0x10] =	wrdreg s1  }
0xa: {  	s11 =	simm.s32 $0x1;
	s0 =	smax.u32 s29, $0x1;
	[dreg:$0x11] =	wrdreg s31  }
0xb: {  	s12 =	simm.s32 $0x2;
	[dreg:$0x12] =	wrdreg s0;
	s1 =	simm.s32 $0x0  }
.LBB2_1:
0xc: {  	[dreg:$0x13] =	wrdreg s1  }
0xd: {  	s0 =	rddreg [dreg:$0x10];
	s30 =	simm.s32 $0x3  }
0xe: {  	[tilespmem:s2], [sflag:$0x3] =	stream.linear.gather [hbm4b:s0+s2], $0x200, $0x38;
	[tilespmem:$0x10400] =	vst v63  }
0xf: {  	_ =	swait.ge [sflag:s30], $0x200  }
0x10: {  	[sflag:s30] =	ssyncset.done $0x0  }
0x11: {  	s4 =	simm.s32 $0x200;
	s31 =	rddreg [dreg:$0x11];
	[sflag:s30] =	ssyncadd.s32 $0xFFFFFE00  }
0x12: {  	[tilespmem:s4], [sflag:$0x3] =	stream.linear.gather [hbm4b:s31+s2], $0x200, $0x38;
	[tilespmem:$0x10400] =	vst v63  }
0x13: {  	_ =	swait.ge [sflag:s30], $0x200  }
0x14: {  	[sflag:s30] =	ssyncset.done $0x0  }
0x15: {  	p1 =	por $0x1, $0x1;
	s0 =	simm.s32 $0x0;
	[sflag:s30] =	ssyncadd.s32 $0xFFFFFE00  }
.LBB2_2:
0x16: {  	s17 =	sshll.u32 s0, $0x2  }
0x17: {  	[dreg:$0x14] =	wrdreg s0;
	s0 =	sshra.s32 s17, $0x2  }
0x18: {  	s21 =	sadd.s32 $0x200, s0;
	v0 =	vld [tilespmem:s0+$0x0]  }
0x19: {  	v2 =	vld [tilespmem:s21+$0x0];
	_ =	sdelay $0x3  }
0x1a: {  	v1 =	vshll.u32 v0, $0x4  }
0x1b: {  	v63 =	vshll.u32 v2, $0x4;
	(v2sf) =	vpush v1, $0x0  }
0x1c: {  	(v2sf) =	vpush v63, $0x0  }
0x1d: {  	(v2sf) =	vpush v1, $0x1;
	_ =	sdelay $0x1  }
0x1e: {  	(v2sf) =	vpush v63, $0x1  }
0x1f: {  	(v2sf) =	vpush v1, $0x2;
	_ =	sdelay $0x1  }
0x20: {  	(v2sf) =	vpush v63, $0x2;
	_ =	sdelay $0x1  }
0x21: {  	(v2sf) =	vpush v1, $0x3;
	_ =	sdelay $0x1  }
0x22: {  	s16 =	simm.s32 $0x0;
	s6 =	simm.s32 $0x8400;
	(v2sf) =	vpush v63, $0x3  }
0x23: {  	s5 =	simm.s32 $0x680;
	s4 =	simm.s32 $0x880;
	s1 =	simm.s32 $0x400  }
0x24: {  	s8 =	simm.s32 $0x600;
	s20 =	simm.s32 $0x480;
	s23 =	simm.s32 $0x8480  }
0x25: {  	s26 =	simm.s32 $0x500;
	s30 =	simm.s32 $0x8500;
	s15 =	simm.s32 $0x8580  }
0x26: {  	p0 =	por p1, p1;
	s17 =	simm.s32 $0x2000;
	s7 =	spop (v2sf)  }
0x27: {  	s21 =	sadd.s32 $0x10, s21;
	s7 =	sand.u32 $0x1FFFFFF0, s7;
	s9 =	spop (v2sf)  }
0x28: {  	(v2sf) =	vpush v1, $0x4;
	s7 =	sadd.s32 s3, s7;
	s9 =	sand.u32 $0x1FFFFFF0, s9;
	s10 =	spop (v2sf)  }
0x29: {  	[tilespmem:s1], [sflag:$0x1] =	stream.linear.gather [hbm4b:s7+s2], $0x80, $0x38;
	[tilespmem:$0x10400] =	vst v63  }
0x2a: {  	(v2sf) =	vpush v63, $0x4;
	s1 =	simm.s32 $0x8900;
	s18 =	sadd.s32 s3, s9;
	s22 =	spop (v2sf)  }
0x2b: {  	s19 =	sand.u32 $0x1FFFFFF0, s10;
	s10 =	simm.s32 $0x580;
	s24 =	spop (v2sf)  }
0x2c: {  	[tilespmem:s6], [sflag:$0x2] =	stream.linear.gather [hbm4b:s18+s2], $0x80, $0x38;
	[tilespmem:$0x10400] =	vst v63  }
0x2d: {  	(v2sf) =	vpush v1, $0x5;
	s9 =	sadd.s32 s3, s19;
	s7 =	sand.u32 $0x1FFFFFF0, s22;
	s25 =	spop (v2sf)  }
0x2e: {  	(v2sf) =	vpush v63, $0x5;
	[tilespmem:s20], [sflag:$0x1] =	stream.linear.gather [hbm4b:s9+s2], $0x80, $0x38;
	[tilespmem:$0x10400] =	vst v63  }
0x2f: {  	s7 =	sadd.s32 s3, s7;
	s31 =	spop (v2sf);
	s9 =	sand.u32 $0x1FFFFFF0, s24  }
0x30: {  	(v2sf) =	vpush v1, $0x6;
	[tilespmem:s23], [sflag:$0x2] =	stream.linear.gather [hbm4b:s7+s2], $0x80, $0x38;
	[tilespmem:$0x10400] =	vst v63  }
0x31: {  	s29 =	sand.u32 $0x1FFFFFF0, s25;
	s13 =	spop (v2sf);
	s28 =	sadd.s32 s3, s9  }
0x32: {  	(v2sf) =	vpush v63, $0x6;
	[tilespmem:s26], [sflag:$0x1] =	stream.linear.gather [hbm4b:s28+s2], $0x80, $0x38;
	[tilespmem:$0x10400] =	vst v63  }
0x33: {  	s9 =	sadd.s32 s3, s29;
	s29 =	simm.s32 $0x8680;
	s7 =	sand.u32 $0x1FFFFFF0, s31  }
0x34: {  	(v2sf) =	vpush v1, $0x7;
	[tilespmem:s30], [sflag:$0x2] =	stream.linear.gather [hbm4b:s9+s2], $0x80, $0x38;
	[tilespmem:$0x10400] =	vst v63  }
0x35: {  	s23 =	simm.s32 $0x8600;
	s7 =	sadd.s32 s3, s7;
	s9 =	sand.u32 $0x1FFFFFF0, s13  }
0x36: {  	[tilespmem:s10], [sflag:$0x1] =	stream.linear.gather [hbm4b:s7+s2], $0x80, $0x38;
	[tilespmem:$0x10400] =	vst v63  }
0x37: {  	s31 =	simm.s32 $0x700;
	s18 =	sadd.s32 s3, s9;
	s14 =	spop (v2sf)  }
0x38: {  	(v2sf) =	vpush v63, $0x7;
	[tilespmem:s15], [sflag:$0x2] =	stream.linear.gather [hbm4b:s18+s2], $0x80, $0x38;
	[tilespmem:$0x10400] =	vst v63  }
0x39: {  	s13 =	simm.s32 $0xA80;
	s19 =	sand.u32 $0x1FFFFFF0, s14;
	s20 =	spop (v2sf)  }
0x3a: {  	(v2sf) =	vpush v1, $0x8;
	s14 =	simm.s32 $0x8700;
	s22 =	sadd.s32 s3, s19;
	s6 =	sand.u32 $0x1FFFFFF0, s20  }
0x3b: {  	(v2sf) =	vpush v63, $0x8;
	[tilespmem:s8], [sflag:$0x1] =	stream.linear.gather [hbm4b:s22+s2], $0x80, $0x38;
	[tilespmem:$0x10400] =	vst v63  }
0x3c: {  	s19 =	simm.s32 $0x780;
	s24 =	spop (v2sf);
	s6 =	sadd.s32 s3, s6  }
0x3d: {  	s8 =	sand.u32 $0x1FFFFFF0, s24;
	s25 =	spop (v2sf);
	(v2sf) =	vpush v1, $0x9;
	s22 =	simm.s32 $0x8780  }
0x3e: {  	[tilespmem:s23], [sflag:$0x2] =	stream.linear.gather [hbm4b:s6+s2], $0x80, $0x38;
	[tilespmem:$0x10400] =	vst v63  }
0x3f: {  	s26 =	sadd.s32 s3, s8;
	s28 =	sand.u32 $0x1FFFFFF0, s25;
	s30 =	spop (v2sf);
	(v2sf) =	vpush v63, $0x9  }
0x40: {  	[tilespmem:s5], [sflag:$0x1] =	stream.linear.gather [hbm4b:s26+s2], $0x80, $0x38;
	[tilespmem:$0x10400] =	vst v63  }
0x41: {  	s7 =	sadd.s32 s3, s28;
	(v2sf) =	vpush v1, $0xA;
	s6 =	sand.u32 $0x1FFFFFF0, s30;
	s8 =	spop (v2sf)  }
0x42: {  	[tilespmem:s29], [sflag:$0x2] =	stream.linear.gather [hbm4b:s7+s2], $0x80, $0x38;
	[tilespmem:$0x10400] =	vst v63  }
0x43: {  	s6 =	sadd.s32 s3, s6;
	s9 =	spop (v2sf);
	(v2sf) =	vpush v63, $0xA;
	s7 =	sand.u32 $0x1FFFFFF0, s8  }
0x44: {  	[tilespmem:s31], [sflag:$0x1] =	stream.linear.gather [hbm4b:s6+s2], $0x80, $0x38;
	[tilespmem:$0x10400] =	vst v63  }
0x45: {  	s25 =	simm.s32 $0x800;
	s18 =	sand.u32 $0x1FFFFFF0, s9;
	s15 =	sadd.s32 s3, s7  }
0x46: {  	[tilespmem:s14], [sflag:$0x2] =	stream.linear.gather [hbm4b:s15+s2], $0x80, $0x38;
	[tilespmem:$0x10400] =	vst v63  }
0x47: {  	s29 =	simm.s32 $0x8800;
	s7 =	sadd.s32 s3, s18;
	s20 =	spop (v2sf);
	(v2sf) =	vpush v1, $0xB  }
0x48: {  	[tilespmem:s19], [sflag:$0x1] =	stream.linear.gather [hbm4b:s7+s2], $0x80, $0x38;
	[tilespmem:$0x10400] =	vst v63  }
0x49: {  	s15 =	simm.s32 $0x8880;
	(v2sf) =	vpush v63, $0xB;
	s6 =	sand.u32 $0x1FFFFFF0, s20;
	s23 =	spop (v2sf)  }
0x4a: {  	s6 =	sadd.s32 s3, s6;
	s7 =	sand.u32 $0x1FFFFFF0, s23;
	s24 =	spop (v2sf)  }
0x4b: {  	[tilespmem:s22], [sflag:$0x2] =	stream.linear.gather [hbm4b:s6+s2], $0x80, $0x38;
	[tilespmem:$0x10400] =	vst v63  }
0x4c: {  	s26 =	sadd.s32 s3, s7;
	s28 =	sand.u32 $0x1FFFFFF0, s24;
	s30 =	spop (v2sf)  }
0x4d: {  	[tilespmem:s25], [sflag:$0x1] =	stream.linear.gather [hbm4b:s26+s2], $0x80, $0x38;
	[tilespmem:$0x10400] =	vst v63  }
0x4e: {  	(v2sf) =	vpush v1, $0xC;
	s7 =	sadd.s32 s3, s28;
	s6 =	sand.u32 $0x1FFFFFF0, s30;
	s9 =	spop (v2sf)  }
0x4f: {  	(v2sf) =	vpush v63, $0xC;
	[tilespmem:s29], [sflag:$0x2] =	stream.linear.gather [hbm4b:s7+s2], $0x80, $0x38;
	[tilespmem:$0x10400] =	vst v63  }
0x50: {  	s6 =	sadd.s32 s3, s6;
	s14 =	spop (v2sf);
	s7 =	sand.u32 $0x1FFFFFF0, s9  }
0x51: {  	[tilespmem:s4], [sflag:$0x1] =	stream.linear.gather [hbm4b:s6+s2], $0x80, $0x38;
	[tilespmem:$0x10400] =	vst v63  }
0x52: {  	s19 =	sand.u32 $0x1FFFFFF0, s14;
	s22 =	spop (v2sf);
	s18 =	sadd.s32 s3, s7  }
0x53: {  	[tilespmem:s15], [sflag:$0x2] =	stream.linear.gather [hbm4b:s18+s2], $0x80, $0x38;
	[tilespmem:$0x10400] =	vst v63  }
0x54: {  	s20 =	simm.s32 $0x900;
	s7 =	sadd.s32 s3, s19;
	s23 =	sand.u32 $0x1FFFFFF0, s22  }
0x55: {  	[tilespmem:s20], [sflag:$0x1] =	stream.linear.gather [hbm4b:s7+s2], $0x80, $0x38;
	[tilespmem:$0x10400] =	vst v63  }
0x56: {  	s10 =	simm.s32 $0x8A00;
	s4 =	sadd.s32 s3, s23;
	s24 =	spop (v2sf)  }
0x57: {  	[tilespmem:s1], [sflag:$0x2] =	stream.linear.gather [hbm4b:s4+s2], $0x80, $0x38;
	[tilespmem:$0x10400] =	vst v63  }
0x58: {  	s31 =	simm.s32 $0x8980;
	s25 =	sand.u32 $0x1FFFFFF0, s24;
	s26 =	spop (v2sf)  }
0x59: {  	s28 =	simm.s32 $0x980;
	(v2sf) =	vpush v1, $0xD;
	s29 =	sadd.s32 s3, s25;
	s7 =	sand.u32 $0x1FFFFFF0, s26  }
0x5a: {  	(v2sf) =	vpush v63, $0xD;
	[tilespmem:s28], [sflag:$0x1] =	stream.linear.gather [hbm4b:s29+s2], $0x80, $0x38;
	[tilespmem:$0x10400] =	vst v63  }
0x5b: {  	s6 =	simm.s32 $0x8A80;
	s23 =	simm.s32 $0x8B00;
	(v2sf) =	vpush v1, $0xE;
	s30 =	sadd.s32 s3, s7  }
0x5c: {  	(v2sf) =	vpush v63, $0xE;
	[tilespmem:s31], [sflag:$0x2] =	stream.linear.gather [hbm4b:s30+s2], $0x80, $0x38;
	[tilespmem:$0x10400] =	vst v63  }
0x5d: {  	s20 =	sadd.s32 $0x10, s0;
	s24 =	simm.s32 $0xB00;
	(v2sf) =	vpush v1, $0xF;
	s31 =	spop (v2sf)  }
0x5e: {  	s25 =	simm.s32 $0xA00;
	(v2sf) =	vpush v63, $0xF;
	s0 =	sand.u32 $0x1FFFFFF0, s31;
	s1 =	spop (v2sf)  }
.LBB2_3:
0x5f: {  	_ =	sdelay $0x4  }
0x60: {  	s0 =	sadd.s32 s3, s0;
	s1 =	sand.u32 $0x1FFFFFF0, s1  }
0x61: {  	[tilespmem:s25], [sflag:$0x1] =	stream.linear.gather [hbm4b:s0+s2], $0x80, $0x38;
	[tilespmem:$0x10400] =	vst v63  }
0x62: {  	s18 =	sadd.s32 s3, s1  }
0x63: {  	[tilespmem:s10], [sflag:$0x2] =	stream.linear.gather [hbm4b:s18+s2], $0x80, $0x38;
	[tilespmem:$0x10400] =	vst v63  }
0x64: {  	s4 =	spop (v2sf)  }
0x65: {  	s19 =	sand.u32 $0x1FFFFFF0, s4;
	s22 =	spop (v2sf)  }
0x66: {  	s25 =	sadd.s32 s3, s19;
	s26 =	sand.u32 $0x1FFFFFF0, s22;
	s28 =	spop (v2sf)  }
0x67: {  	[tilespmem:s13], [sflag:$0x1] =	stream.linear.gather [hbm4b:s25+s2], $0x80, $0x38;
	[tilespmem:$0x10400] =	vst v63  }
0x68: {  	s29 =	sadd.s32 s3, s26;
	s30 =	sand.u32 $0x1FFFFFF0, s28;
	s31 =	spop (v2sf)  }
0x69: {  	[tilespmem:s6], [sflag:$0x2] =	stream.linear.gather [hbm4b:s29+s2], $0x80, $0x38;
	[tilespmem:$0x10400] =	vst v63  }
0x6a: {  	s1 =	sadd.s32 s3, s30;
	s4 =	sand.u32 $0x1FFFFFF0, s31;
	s5 =	spop (v2sf)  }
0x6b: {  	[tilespmem:s24], [sflag:$0x1] =	stream.linear.gather [hbm4b:s1+s2], $0x80, $0x38;
	[tilespmem:$0x10400] =	vst v63  }
0x6c: {  	s6 =	sadd.s32 s3, s4;
	s7 =	sand.u32 $0x1FFFFFF0, s5;
	s8 =	spop (v2sf)  }
0x6d: {  	[tilespmem:s23], [sflag:$0x2] =	stream.linear.gather [hbm4b:s6+s2], $0x80, $0x38;
	[tilespmem:$0x10400] =	vst v63  }
0x6e: {  	s9 =	sadd.s32 $0xB80, s16;
	s4 =	sand.u32 $0x1FFFFFF0, s8;
	s1 =	sadd.s32 s3, s7  }
0x6f: {  	[tilespmem:s9], [sflag:$0x1] =	stream.linear.gather [hbm4b:s1+s2], $0x80, $0x38;
	[tilespmem:$0x10400] =	vst v63  }
0x70: {  	s10 =	sadd.s32 $0x8B80, s16;
	s13 =	sadd.s32 s3, s4  }
0x71: {  	[tilespmem:s10], [sflag:$0x2] =	stream.linear.gather [hbm4b:s13+s2], $0x80, $0x38;
	[tilespmem:$0x10400] =	vst v63  }
0x72: {  	v0 =	vld [tilespmem:s20+$0x0]  }
0x73: {  	v2 =	vld [tilespmem:s21+$0x0];
	_ =	sdelay $0x3  }
0x74: {  	s14 =	smov.u32 s17;
	v1 =	vshll.u32 v0, $0x4  }
0x75: {  	s16 =	sshra.s32 s14, $0x2;
	v63 =	vshll.u32 v2, $0x4;
	(v2sf) =	vpush v1, $0x0  }
0x76: {  	s0 =	sadd.s32 $0x680, s16;
	(v2sf) =	vpush v63, $0x0  }
0x77: {  	s15 =	sadd.s32 $0x880, s16;
	[dreg:$0xc] =	wrdreg s0;
	(v2sf) =	vpush v1, $0x1  }
0x78: {  	p1 =	sne.s32 s17, $0x1E000;
	s18 =	sadd.s32 $0x8900, s16;
	[dreg:$0x6] =	wrdreg s15  }
0x79: {  	s17 =	sadd.s32 $0x2000, s17;
	s14 =	sadd.s32 $0x8700, s16;
	[dreg:$0x4] =	wrdreg s18;
	(v2sf) =	vpush v63, $0x1  }
0x7a: {  	s0 =	sadd.s32 $0x580, s16;
	s15 =	sadd.s32 $0x8580, s16;
	s19 =	sadd.s32 $0x8980, s16  }
0x7b: {  	s18 =	sadd.s32 $0x8500, s16;
	s22 =	sadd.s32 $0x900, s16;
	[dreg:$0x5] =	wrdreg s19;
	(v2sf) =	vpush v1, $0x2  }
0x7c: {  	s28 =	sadd.s32 $0x500, s16;
	[dreg:$0x7] =	wrdreg s22;
	s25 =	sadd.s32 $0xA00, s16  }
0x7d: {  	s26 =	sadd.s32 $0x480, s16;
	s19 =	sadd.s32 $0x800, s16;
	s22 =	sadd.s32 $0x980, s16;
	(v2sf) =	vpush v63, $0x2  }
0x7e: {  	s31 =	sadd.s32 $0x400, s16;
	s30 =	sadd.s32 $0x8480, s16;
	[dreg:$0xb] =	wrdreg s19  }
0x7f: {  	[dreg:$0x9] =	wrdreg s22;
	s29 =	sadd.s32 $0x8400, s16;
	s5 =	sadd.s32 $0x600, s16;
	(v2sf) =	vpush v1, $0x3  }
0x80: {  	s8 =	sadd.s32 $0x8880, s16;
	s7 =	sadd.s32 $0xA80, s16;
	s4 =	sadd.s32 $0x8680, s16  }
0x81: {  	[dreg:$0x8] =	wrdreg s8;
	s8 =	sadd.s32 $0x780, s16;
	s24 =	sadd.s32 $0x8780, s16;
	(v2sf) =	vpush v63, $0x3  }
0x82: {  	[dreg:$0xd] =	wrdreg s24;
	s24 =	sadd.s32 $0xB00, s16;
	s23 =	sadd.s32 $0x8800, s16;
	(v2sf) =	vpush v1, $0x4  }
0x83: {  	s6 =	sadd.s32 $0x8A80, s16;
	[dreg:$0xa] =	wrdreg s23;
	s23 =	sadd.s32 $0x8B00, s16  }
0x84: {  	s1 =	sadd.s32 $0x8A00, s16;
	s9 =	sadd.s32 $0x8600, s16;
	s19 =	spop (v2sf)  }
0x85: {  	s13 =	sadd.s32 $0x700, s16;
	s19 =	sand.u32 $0x1FFFFFF0, s19;
	s22 =	spop (v2sf)  }
0x86: {  	(v2sf) =	vpush v63, $0x4;
	s19 =	sadd.s32 s3, s19;
	s22 =	sand.u32 $0x1FFFFFF0, s22;
	s10 =	spop (v2sf)  }
0x87: {  	[tilespmem:s31], [sflag:$0x1] =	stream.linear.gather [hbm4b:s19+s2], $0x80, $0x38;
	[tilespmem:$0x10400] =	vst v63  }
0x88: {  	(v2sf) =	vpush v1, $0x5;
	s22 =	sadd.s32 s3, s22;
	s10 =	sand.u32 $0x1FFFFFF0, s10;
	s31 =	spop (v2sf)  }
0x89: {  	(v2sf) =	vpush v63, $0x5;
	[tilespmem:s29], [sflag:$0x2] =	stream.linear.gather [hbm4b:s22+s2], $0x80, $0x38;
	[tilespmem:$0x10400] =	vst v63  }
0x8a: {  	s10 =	sadd.s32 s3, s10;
	s29 =	sand.u32 $0x1FFFFFF0, s31;
	s31 =	spop (v2sf)  }
0x8b: {  	(v2sf) =	vpush v1, $0x6;
	[tilespmem:s26], [sflag:$0x1] =	stream.linear.gather [hbm4b:s10+s2], $0x80, $0x38;
	[tilespmem:$0x10400] =	vst v63  }
0x8c: {  	s19 =	sadd.s32 s3, s29;
	s22 =	sand.u32 $0x1FFFFFF0, s31;
	s26 =	spop (v2sf)  }
0x8d: {  	(v2sf) =	vpush v63, $0x6;
	[tilespmem:s30], [sflag:$0x2] =	stream.linear.gather [hbm4b:s19+s2], $0x80, $0x38;
	[tilespmem:$0x10400] =	vst v63  }
0x8e: {  	s20 =	sadd.s32 $0x10, s20;
	s29 =	sadd.s32 s3, s22;
	s31 =	spop (v2sf)  }
0x8f: {  	(v2sf) =	vpush v1, $0x7;
	[tilespmem:s28], [sflag:$0x1] =	stream.linear.gather [hbm4b:s29+s2], $0x80, $0x38;
	[tilespmem:$0x10400] =	vst v63  }
0x90: {  	s21 =	sadd.s32 $0x10, s21;
	s30 =	sand.u32 $0x1FFFFFF0, s26;
	s28 =	spop (v2sf)  }
0x91: {  	s26 =	sand.u32 $0x1FFFFFF0, s31;
	s19 =	sadd.s32 s3, s30;
	(v2sf) =	vpush v63, $0x7;
	s31 =	spop (v2sf)  }
0x92: {  	[tilespmem:s18], [sflag:$0x2] =	stream.linear.gather [hbm4b:s19+s2], $0x80, $0x38;
	[tilespmem:$0x10400] =	vst v63  }
0x93: {  	s29 =	sadd.s32 s3, s26;
	s30 =	sand.u32 $0x1FFFFFF0, s28;
	s18 =	sand.u32 $0x1FFFFFF0, s31  }
0x94: {  	(v2sf) =	vpush v1, $0x8;
	[tilespmem:s0], [sflag:$0x1] =	stream.linear.gather [hbm4b:s29+s2], $0x80, $0x38;
	[tilespmem:$0x10400] =	vst v63  }
0x95: {  	s10 =	sadd.s32 s3, s30;
	s22 =	sadd.s32 s3, s18;
	s19 =	spop (v2sf)  }
0x96: {  	[tilespmem:s15], [sflag:$0x2] =	stream.linear.gather [hbm4b:s10+s2], $0x80, $0x38;
	[tilespmem:$0x10400] =	vst v63  }
0x97: {  	s26 =	sand.u32 $0x1FFFFFF0, s19;
	s28 =	spop (v2sf);
	s10 =	smov.u32 s1  }
0x98: {  	(v2sf) =	vpush v63, $0x8;
	s19 =	rddreg [dreg:$0xc];
	s29 =	sadd.s32 s3, s26;
	s31 =	spop (v2sf)  }
0x99: {  	(v2sf) =	vpush v1, $0x9;
	[tilespmem:s5], [sflag:$0x1] =	stream.linear.gather [hbm4b:s22+s2], $0x80, $0x38;
	[tilespmem:$0x10400] =	vst v63  }
0x9a: {  	s30 =	sand.u32 $0x1FFFFFF0, s28;
	s15 =	sand.u32 $0x1FFFFFF0, s31;
	s18 =	spop (v2sf)  }
0x9b: {  	(v2sf) =	vpush v63, $0x9;
	[tilespmem:s9], [sflag:$0x2] =	stream.linear.gather [hbm4b:s29+s2], $0x80, $0x38;
	[tilespmem:$0x10400] =	vst v63  }
0x9c: {  	s9 =	sadd.s32 s3, s30;
	s26 =	sand.u32 $0x1FFFFFF0, s18;
	s28 =	spop (v2sf)  }
0x9d: {  	[tilespmem:s19], [sflag:$0x1] =	stream.linear.gather [hbm4b:s9+s2], $0x80, $0x38;
	[tilespmem:$0x10400] =	vst v63  }
0x9e: {  	s22 =	sadd.s32 s3, s15;
	s29 =	sadd.s32 s3, s26;
	s31 =	spop (v2sf)  }
0x9f: {  	(v2sf) =	vpush v1, $0xA;
	[tilespmem:s4], [sflag:$0x2] =	stream.linear.gather [hbm4b:s22+s2], $0x80, $0x38;
	[tilespmem:$0x10400] =	vst v63  }
0xa0: {  	s30 =	sand.u32 $0x1FFFFFF0, s28;
	s28 =	rddreg [dreg:$0xd];
	s9 =	spop (v2sf)  }
0xa1: {  	(v2sf) =	vpush v63, $0xA;
	[tilespmem:s13], [sflag:$0x1] =	stream.linear.gather [hbm4b:s29+s2], $0x80, $0x38;
	[tilespmem:$0x10400] =	vst v63  }
0xa2: {  	s5 =	sadd.s32 s3, s30;
	s13 =	smov.u32 s7;
	s15 =	sand.u32 $0x1FFFFFF0, s9  }
0xa3: {  	(v2sf) =	vpush v1, $0xB;
	s7 =	sand.u32 $0x1FFFFFF0, s31;
	s18 =	spop (v2sf);
	s19 =	sadd.s32 s3, s15  }
0xa4: {  	[tilespmem:s14], [sflag:$0x2] =	stream.linear.gather [hbm4b:s5+s2], $0x80, $0x38;
	[tilespmem:$0x10400] =	vst v63  }
0xa5: {  	s22 =	sand.u32 $0x1FFFFFF0, s18;
	s15 =	rddreg [dreg:$0xa];
	s14 =	sadd.s32 s3, s7  }
0xa6: {  	[tilespmem:s8], [sflag:$0x1] =	stream.linear.gather [hbm4b:s14+s2], $0x80, $0x38;
	[tilespmem:$0x10400] =	vst v63  }
0xa7: {  	(v2sf) =	vpush v63, $0xB;
	s29 =	sadd.s32 s3, s22;
	s7 =	rddreg [dreg:$0xb];
	s26 =	spop (v2sf)  }
0xa8: {  	(v2sf) =	vpush v1, $0xC;
	s30 =	sand.u32 $0x1FFFFFF0, s26;
	s31 =	spop (v2sf);
	s26 =	rddreg [dreg:$0x6]  }
0xa9: {  	[tilespmem:s28], [sflag:$0x2] =	stream.linear.gather [hbm4b:s19+s2], $0x80, $0x38;
	[tilespmem:$0x10400] =	vst v63  }
0xaa: {  	(v2sf) =	vpush v63, $0xC;
	s8 =	sadd.s32 s3, s30;
	s9 =	sand.u32 $0x1FFFFFF0, s31;
	s14 =	spop (v2sf)  }
0xab: {  	[tilespmem:s7], [sflag:$0x1] =	stream.linear.gather [hbm4b:s29+s2], $0x80, $0x38;
	[tilespmem:$0x10400] =	vst v63  }
0xac: {  	s31 =	rddreg [dreg:$0x8];
	s18 =	sadd.s32 s3, s9;
	s19 =	sand.u32 $0x1FFFFFF0, s14  }
0xad: {  	[tilespmem:s15], [sflag:$0x2] =	stream.linear.gather [hbm4b:s8+s2], $0x80, $0x38;
	[tilespmem:$0x10400] =	vst v63  }
0xae: {  	s9 =	rddreg [dreg:$0x7];
	s22 =	spop (v2sf);
	s28 =	sadd.s32 s3, s19  }
0xaf: {  	[tilespmem:s26], [sflag:$0x1] =	stream.linear.gather [hbm4b:s18+s2], $0x80, $0x38;
	[tilespmem:$0x10400] =	vst v63  }
0xb0: {  	s19 =	rddreg [dreg:$0x4];
	s29 =	sand.u32 $0x1FFFFFF0, s22;
	s30 =	spop (v2sf)  }
0xb1: {  	[tilespmem:s31], [sflag:$0x2] =	stream.linear.gather [hbm4b:s28+s2], $0x80, $0x38;
	[tilespmem:$0x10400] =	vst v63  }
0xb2: {  	s5 =	sadd.s32 s3, s29;
	s7 =	sand.u32 $0x1FFFFFF0, s30;
	s8 =	spop (v2sf)  }
0xb3: {  	[tilespmem:s9], [sflag:$0x1] =	stream.linear.gather [hbm4b:s5+s2], $0x80, $0x38;
	[tilespmem:$0x10400] =	vst v63  }
0xb4: {  	s29 =	rddreg [dreg:$0x9];
	s14 =	sadd.s32 s3, s7;
	s15 =	sand.u32 $0x1FFFFFF0, s8  }
0xb5: {  	(v2sf) =	vpush v1, $0xD;
	[tilespmem:s19], [sflag:$0x2] =	stream.linear.gather [hbm4b:s14+s2], $0x80, $0x38;
	[tilespmem:$0x10400] =	vst v63  }
.Ltmp0:
0xb6: {  	(v2sf) =	vpush v63, $0xD;
	s22 =	sadd.s32 s3, s15;
	s18 =	spop (v2sf);
	(pc) =	sbr.rel @p1 .LBB2_3-.Ltmp0, $4  }
0xb7: {  	(v2sf) =	vpush v1, $0xE;
	s31 =	rddreg [dreg:$0x5];
	s26 =	sand.u32 $0x1FFFFFF0, s18;
	s28 =	spop (v2sf)  }
0xb8: {  	(v2sf) =	vpush v63, $0xE;
	[tilespmem:s29], [sflag:$0x1] =	stream.linear.gather [hbm4b:s22+s2], $0x80, $0x38;
	[tilespmem:$0x10400] =	vst v63  }
0xb9: {  	(v2sf) =	vpush v1, $0xF;
	s30 =	sadd.s32 s3, s26;
	s0 =	sand.u32 $0x1FFFFFF0, s28;
	s1 =	spop (v2sf)  }
0xba: {  	(v2sf) =	vpush v63, $0xF;
	[tilespmem:s31], [sflag:$0x2] =	stream.linear.gather [hbm4b:s30+s2], $0x80, $0x38;
	[tilespmem:$0x10400] =	vst v63  }
0xbb: {  	_ =	sdelay $0x4  }
0xbc: {  	s0 =	sadd.s32 s3, s0;
	s1 =	sand.u32 $0x1FFFFFF0, s1  }
0xbd: {  	[tilespmem:s25], [sflag:$0x1] =	stream.linear.gather [hbm4b:s0+s2], $0x80, $0x38;
	[tilespmem:$0x10400] =	vst v63  }
0xbe: {  	s7 =	sadd.s32 s3, s1  }
0xbf: {  	[tilespmem:s10], [sflag:$0x2] =	stream.linear.gather [hbm4b:s7+s2], $0x80, $0x38;
	[tilespmem:$0x10400] =	vst v63  }
0xc0: {  	s4 =	spop (v2sf)  }
0xc1: {  	s8 =	sand.u32 $0x1FFFFFF0, s4;
	s9 =	spop (v2sf)  }
0xc2: {  	s10 =	sadd.s32 s3, s8;
	s14 =	sand.u32 $0x1FFFFFF0, s9;
	s15 =	spop (v2sf)  }
0xc3: {  	[tilespmem:s13], [sflag:$0x1] =	stream.linear.gather [hbm4b:s10+s2], $0x80, $0x38;
	[tilespmem:$0x10400] =	vst v63  }
0xc4: {  	s17 =	sadd.s32 s3, s14;
	s18 =	sand.u32 $0x1FFFFFF0, s15;
	s19 =	spop (v2sf)  }
0xc5: {  	[tilespmem:s6], [sflag:$0x2] =	stream.linear.gather [hbm4b:s17+s2], $0x80, $0x38;
	[tilespmem:$0x10400] =	vst v63  }
0xc6: {  	s20 =	sadd.s32 s3, s18;
	s21 =	sand.u32 $0x1FFFFFF0, s19;
	s22 =	spop (v2sf)  }
0xc7: {  	[tilespmem:s24], [sflag:$0x1] =	stream.linear.gather [hbm4b:s20+s2], $0x80, $0x38;
	[tilespmem:$0x10400] =	vst v63  }
0xc8: {  	s25 =	sadd.s32 s3, s21;
	s26 =	sand.u32 $0x1FFFFFF0, s22;
	s28 =	spop (v2sf)  }
0xc9: {  	[tilespmem:s23], [sflag:$0x2] =	stream.linear.gather [hbm4b:s25+s2], $0x80, $0x38;
	[tilespmem:$0x10400] =	vst v63  }
0xca: {  	s29 =	sadd.s32 $0xB80, s16;
	s1 =	sadd.s32 s3, s26;
	s4 =	sand.u32 $0x1FFFFFF0, s28  }
0xcb: {  	[tilespmem:s29], [sflag:$0x1] =	stream.linear.gather [hbm4b:s1+s2], $0x80, $0x38;
	[tilespmem:$0x10400] =	vst v63  }
0xcc: {  	s30 =	sadd.s32 $0x8B80, s16;
	s31 =	sadd.s32 s3, s4  }
0xcd: {  	[tilespmem:s30], [sflag:$0x2] =	stream.linear.gather [hbm4b:s31+s2], $0x80, $0x38;
	[tilespmem:$0x10400] =	vst v63  }
0xce: {  	_ =	swait.ge [sflag:s11], $0x80  }
0xcf: {  	[sflag:s11] =	ssyncset.done $0x0  }
0xd0: {  	[sflag:s11] =	ssyncadd.s32 $0xFFFFFF80  }
0xd1: {  	_ =	swait.ge [sflag:s12], $0x80  }
0xd2: {  	[sflag:s12] =	ssyncset.done $0x0  }
0xd3: {  	[sflag:s12] =	ssyncadd.s32 $0xFFFFFF80  }
0xd4: {  	_ =	swait.ge [sflag:s11], $0x80  }
0xd5: {  	[sflag:s11] =	ssyncset.done $0x0  }
0xd6: {  	[sflag:s11] =	ssyncadd.s32 $0xFFFFFF80  }
0xd7: {  	_ =	swait.ge [sflag:s12], $0x80  }
0xd8: {  	[sflag:s12] =	ssyncset.done $0x0  }
0xd9: {  	[sflag:s12] =	ssyncadd.s32 $0xFFFFFF80  }
0xda: {  	_ =	swait.ge [sflag:s11], $0x80  }
0xdb: {  	[sflag:s11] =	ssyncset.done $0x0  }
0xdc: {  	[sflag:s11] =	ssyncadd.s32 $0xFFFFFF80  }
0xdd: {  	_ =	swait.ge [sflag:s12], $0x80  }
0xde: {  	[sflag:s12] =	ssyncset.done $0x0  }
0xdf: {  	[sflag:s12] =	ssyncadd.s32 $0xFFFFFF80  }
0xe0: {  	_ =	swait.ge [sflag:s11], $0x80  }
0xe1: {  	[sflag:s11] =	ssyncset.done $0x0  }
0xe2: {  	[sflag:s11] =	ssyncadd.s32 $0xFFFFFF80  }
0xe3: {  	_ =	swait.ge [sflag:s12], $0x80  }
0xe4: {  	[sflag:s12] =	ssyncset.done $0x0  }
0xe5: {  	[sflag:s12] =	ssyncadd.s32 $0xFFFFFF80  }
0xe6: {  	_ =	swait.ge [sflag:s11], $0x80  }
0xe7: {  	[sflag:s11] =	ssyncset.done $0x0  }
0xe8: {  	[sflag:s11] =	ssyncadd.s32 $0xFFFFFF80  }
0xe9: {  	_ =	swait.ge [sflag:s12], $0x80  }
0xea: {  	[sflag:s12] =	ssyncset.done $0x0  }
0xeb: {  	[sflag:s12] =	ssyncadd.s32 $0xFFFFFF80  }
0xec: {  	_ =	swait.ge [sflag:s11], $0x80  }
0xed: {  	[sflag:s11] =	ssyncset.done $0x0  }
0xee: {  	[sflag:s11] =	ssyncadd.s32 $0xFFFFFF80  }
0xef: {  	_ =	swait.ge [sflag:s12], $0x80  }
0xf0: {  	[sflag:s12] =	ssyncset.done $0x0  }
0xf1: {  	[sflag:s12] =	ssyncadd.s32 $0xFFFFFF80  }
0xf2: {  	_ =	swait.ge [sflag:s11], $0x80  }
0xf3: {  	[sflag:s11] =	ssyncset.done $0x0  }
0xf4: {  	[sflag:s11] =	ssyncadd.s32 $0xFFFFFF80  }
0xf5: {  	_ =	swait.ge [sflag:s12], $0x80  }
0xf6: {  	[sflag:s12] =	ssyncset.done $0x0  }
0xf7: {  	[sflag:s12] =	ssyncadd.s32 $0xFFFFFF80  }
0xf8: {  	_ =	swait.ge [sflag:s11], $0x80  }
0xf9: {  	[sflag:s11] =	ssyncset.done $0x0  }
0xfa: {  	[sflag:s11] =	ssyncadd.s32 $0xFFFFFF80  }
0xfb: {  	_ =	swait.ge [sflag:s12], $0x80  }
0xfc: {  	s0 =	simm.s32 $0x1F;
	[sflag:s12] =	ssyncset.done $0x0  }
.LBB2_5:
0xfd: {  	p1 =	sne.s32 s0, $0x1;
	s0 =	sadd.s32 $0xFFFFFFFF, s0;
	[sflag:s12] =	ssyncadd.s32 $0xFFFFFF80  }
0xfe: {  	_ =	swait.ge [sflag:s11], $0x80  }
0xff: {  	[sflag:s11] =	ssyncset.done $0x0  }
0x100: {  	[sflag:s11] =	ssyncadd.s32 $0xFFFFFF80  }
0x101: {  	_ =	swait.ge [sflag:s12], $0x80  }
0x102: {  	[sflag:s12] =	ssyncset.done $0x0  }
0x103: {  	[sflag:s12] =	ssyncadd.s32 $0xFFFFFF80  }
0x104: {  	_ =	swait.ge [sflag:s11], $0x80  }
0x105: {  	[sflag:s11] =	ssyncset.done $0x0  }
0x106: {  	[sflag:s11] =	ssyncadd.s32 $0xFFFFFF80  }
0x107: {  	_ =	swait.ge [sflag:s12], $0x80  }
0x108: {  	[sflag:s12] =	ssyncset.done $0x0  }
0x109: {  	[sflag:s12] =	ssyncadd.s32 $0xFFFFFF80  }
0x10a: {  	_ =	swait.ge [sflag:s11], $0x80  }
0x10b: {  	[sflag:s11] =	ssyncset.done $0x0  }
0x10c: {  	[sflag:s11] =	ssyncadd.s32 $0xFFFFFF80  }
0x10d: {  	_ =	swait.ge [sflag:s12], $0x80  }
0x10e: {  	[sflag:s12] =	ssyncset.done $0x0  }
0x10f: {  	[sflag:s12] =	ssyncadd.s32 $0xFFFFFF80  }
0x110: {  	_ =	swait.ge [sflag:s11], $0x80  }
0x111: {  	[sflag:s11] =	ssyncset.done $0x0  }
0x112: {  	[sflag:s11] =	ssyncadd.s32 $0xFFFFFF80  }
0x113: {  	_ =	swait.ge [sflag:s12], $0x80  }
0x114: {  	[sflag:s12] =	ssyncset.done $0x0  }
0x115: {  	[sflag:s12] =	ssyncadd.s32 $0xFFFFFF80  }
0x116: {  	_ =	swait.ge [sflag:s11], $0x80  }
0x117: {  	[sflag:s11] =	ssyncset.done $0x0  }
0x118: {  	[sflag:s11] =	ssyncadd.s32 $0xFFFFFF80  }
0x119: {  	_ =	swait.ge [sflag:s12], $0x80  }
0x11a: {  	[sflag:s12] =	ssyncset.done $0x0  }
0x11b: {  	[sflag:s12] =	ssyncadd.s32 $0xFFFFFF80  }
0x11c: {  	_ =	swait.ge [sflag:s11], $0x80  }
0x11d: {  	[sflag:s11] =	ssyncset.done $0x0  }
0x11e: {  	[sflag:s11] =	ssyncadd.s32 $0xFFFFFF80  }
0x11f: {  	_ =	swait.ge [sflag:s12], $0x80  }
0x120: {  	[sflag:s12] =	ssyncset.done $0x0  }
0x121: {  	[sflag:s12] =	ssyncadd.s32 $0xFFFFFF80  }
0x122: {  	_ =	swait.ge [sflag:s11], $0x80  }
0x123: {  	[sflag:s11] =	ssyncset.done $0x0  }
0x124: {  	[sflag:s11] =	ssyncadd.s32 $0xFFFFFF80  }
0x125: {  	_ =	swait.ge [sflag:s12], $0x80  }
0x126: {  	[sflag:s12] =	ssyncset.done $0x0  }
0x127: {  	[sflag:s12] =	ssyncadd.s32 $0xFFFFFF80  }
.Ltmp1:
0x128: {  	_ =	swait.ge [sflag:s11], $0x80;
	(pc) =	sbr.rel @p1 .LBB2_5-.Ltmp1, $4  }
0x129: {  	[sflag:s11] =	ssyncset.done $0x0  }
0x12a: {  	[sflag:s11] =	ssyncadd.s32 $0xFFFFFF80  }
0x12b: {  	_ =	swait.ge [sflag:s12], $0x80  }
0x12c: {  	[sflag:s12] =	ssyncset.done $0x0  }
0x12d: {  	[sflag:s12] =	ssyncadd.s32 $0xFFFFFF80;
	s0 =	simm.s32 $0x0  }
0x12e: {  	v5 =	vld [tilespmem:s0+$0x8400]  }
0x12f: {  	v6 =	vld [tilespmem:s0+$0x8410]  }
0x130: {  	v1 =	vld [tilespmem:s0+$0x8420]  }
0x131: {  	v0 =	vld [tilespmem:s0+$0x8430]  }
0x132: {  	v2 =	vld [tilespmem:s0+$0x400]  }
0x133: {  	v4 =	vld [tilespmem:s0+$0x410]  }
0x134: {  	s1 =	simm.s32 $0x200;
	v3 =	vld [tilespmem:s0+$0x420]  }
.LBB2_7:
0x135: {  	s4 =	sshra.s32 s1, $0x2;
	p1 =	sne.s32 s1, $0x1FE00;
	v7 =	vld [tilespmem:s0+$0x430];
	v8 =	vmov v1  }
0x136: {  	v9 =	vld [tilespmem:s4+$0x8400];
	v10 =	vmov v0  }
0x137: {  	v11 =	vld [tilespmem:s4+$0x8410];
	v2 =	vmul.f32 v5, v2  }
.Ltmp2:
0x138: {  	v1 =	vld [tilespmem:s4+$0x8420];
	v4 =	vmul.f32 v6, v4;
	(pc) =	sbr.rel @p1 .LBB2_7-.Ltmp2, $4  }
0x139: {  	v0 =	vld [tilespmem:s4+$0x8430];
	[tilespmem:s0+$0x400] =	vst v2;
	v3 =	vmul.f32 v8, v3  }
0x13a: {  	v2 =	vld [tilespmem:s4+$0x400];
	[tilespmem:s0+$0x410] =	vst v4;
	v7 =	vmul.f32 v10, v7  }
0x13b: {  	v4 =	vld [tilespmem:s4+$0x410];
	[tilespmem:s0+$0x420] =	vst v3;
	v5 =	vmov v9  }
0x13c: {  	s1 =	sadd.s32 $0x200, s1;
	v3 =	vld [tilespmem:s4+$0x420];
	[tilespmem:s0+$0x430] =	vst v7;
	v6 =	vmov v11;
	s0 =	smov.u32 s4  }
0x13d: {  	v7 =	vld [tilespmem:s0+$0x430];
	_ =	sdelay $0x1  }
0x13e: {  	v2 =	vmul.f32 v5, v2  }
0x13f: {  	s1 =	rddreg [dreg:$0xe];
	v4 =	vmul.f32 v6, v4  }
0x140: {  	s4 =	rddreg [dreg:$0x14];
	[tilespmem:s0+$0x400] =	vst v2;
	v1 =	vmul.f32 v1, v3  }
0x141: {  	s1 =	sor.u32 s1, s4;
	[tilespmem:s0+$0x410] =	vst v4;
	v0 =	vmul.f32 v0, v7  }
0x142: {  	s29 =	rddreg [dreg:$0xf];
	s30 =	simm.s32 $0x400;
	s1 =	sshll.u32 s1, $0x4;
	[tilespmem:s0+$0x420] =	vst v1  }
.Ltmp3:
0x143: {  	s31 =	simm.s32 $0x3;
	[tilespmem:s0+$0x430] =	vst v0;
	s0 =	sadd.s32 s29, s1;
	(pc) =	sbr.rel @p0 .LBB2_2-.Ltmp3, $4  }
0x144: {  	[hbm4b:s0+s2] =	stream.linear.scatter [tilespmem:s30], [sflag:$0x3], $0x8000, $0x38;
	[tilespmem:$0x10400] =	vst v63  }
0x145: {  	_ =	swait.ge [sflag:s31], $0x8000  }
0x146: {  	[sflag:s31] =	ssyncset.done $0x0  }
0x147: {  	p1 =	por $0x0, $0x0;
	s0 =	simm.s32 $0x100;
	[sflag:s31] =	ssyncadd.s32 $0xFFFF8000  }
0x148: {  	s1 =	rddreg [dreg:$0x13]  }
0x149: {  	s0 =	rddreg [dreg:$0x12];
	s1 =	sadd.s32 $0x1, s1  }
0x14a: {  	p0 =	sne.s32 s1, s0  }
.Ltmp4:
0x14b: {  	_ = 	snop;
	(pc) =	sbr.rel @p0 .LBB2_1-.Ltmp4, $1  }
0x14c: {  	_ =	sdelay $0x3  }
0x14d: {  	_ =	sfence.sel $0x180000  }
0x14e: {  	[bflag:$0x0] =	sbarrier.arrive $0xFFFF  }
0x14f: {  	_ =	strace $0x90000047  }
0x150: {  	s0 =	stileid.u32;
	[bflag:$0x2] =	sbarrier.arrive $0xFFFF  }
0x151: {  	p0 =	sne.s32 s0, $0x0;
	s0 =	rddreg [dreg:$0x3]  }
0x152: {  	s0 =	sadd.s32 @!p0 $0x100000, s0  }
0x153: {  	[sflag:s0] =	ssyncadd.tile.s32 @!p0 $0x1;
	_ =	shalt  }
.Lfunc_end2:
_tile_overlayer_lowered:
.L_overlay_start_2:
0x154: {  	(tag) =	ssettag $0x2  }
0x155: {  	s0 =	rddreg [dreg:$0x0];
	s2 =	stileid.u32  }
0x156: {  	s1 =	rddreg [dreg:$0x1];
	p0 =	sne.s32 s2, $0x0  }
0x157: {  	s3 =	rddreg [dreg:$0x2];
	[bflag:$0x3] =	sbarrier.arrive $0xFFFF;
	s2 =	simm.s32 @!p0 $0x1C03  }
0x158: {  	[timem:s3], [sflag:s2] =	dma.local @!p0 [hbm:s0], s1  }
0x159: {  	s0 =	simm.s32 @!p0 $0x3  }
0x15a: {  	_ =	swait.ge @!p0 [sflag:s0], s1  }
0x15b: {  	s1 =	ssub.s32 @!p0 $0x0, s1;
	[sflag:s0] =	ssyncset.done @!p0 $0x0  }
0x15c: {  	[sflag:s0] =	ssyncadd.s32 @!p0 s1  }
0x15d: {  	[bflag:$0x3] =	sbarrier.arrive $0xFFFF  }
0x15e: {  	_ =	shalt  }

</sc_bundles>
